<compile_context>
chip_gen: v7x
topology: tpu7x:2x2x1
jax: 0.10.2.dev20260603
libtpu: 0.0.44.dev20260713+nightly
codegen_flags: <defaults>
</compile_context>

<pallas_src>
import functools

import jax
import jax.numpy as jnp
from jax import lax
from jax.experimental import pallas as pl
from jax.experimental.pallas import tpu as pltpu
from jax.experimental.pallas import tpu_sc as plsc

EPS = 1e-09
N_TASKS = 1000
N_SKILLS = 64
N_SPLITS = 8
BS = 16384
D = N_SKILLS * N_SPLITS

NUM_CORES = 2
NUM_SUBCORES = 16
NUM_WORKERS = NUM_CORES * NUM_SUBCORES
B_PER_W = BS // NUM_WORKERS
CHUNK = 128
N_CHUNKS = B_PER_W // CHUNK

T_PER_SUB = 64
LANES = 16

_mesh = plsc.VectorSubcoreMesh(core_axis_name="c", subcore_axis_name="s")


@functools.partial(
    pl.kernel,
    mesh=_mesh,
    out_type=[
        jax.ShapeDtypeStruct((BS, D), jnp.float32),
        jax.ShapeDtypeStruct((N_TASKS, D), jnp.float32),
    ],
    scratch_types=[
        pltpu.VMEM((T_PER_SUB, D), jnp.float32),
        pltpu.VMEM((B_PER_W,), jnp.int32),
        pltpu.VMEM((CHUNK, D), jnp.float32),
        pltpu.SemaphoreType.DMA,
    ],
    compiler_params=pltpu.CompilerParams(needs_layout_passes=False),
)
def _sc_run(idx_hbm, w_hbm, out_hbm, table_hbm, wv, idx_all, rows_v, sem):
    cid = lax.axis_index("c")
    sid = lax.axis_index("s")

    trow = pl.multiple_of(
        jnp.minimum(sid * T_PER_SUB, N_TASKS - T_PER_SUB), 8
    )
    pltpu.sync_copy(w_hbm.at[pl.ds(trow, T_PER_SUB)], wv)

    def norm_row(r, _):
        for g in range(N_SPLITS):
            base = g * N_SKILLS
            xs = [wv[r, pl.ds(base + j * LANES, LANES)] for j in range(4)]
            ss = [1.0 / (1.0 + jnp.exp(-x)) for x in xs]
            tot = jnp.sum(ss[0] + ss[1] + ss[2] + ss[3])
            inv = 1.0 / (jnp.full((LANES,), tot, jnp.float32) + EPS)
            for j in range(4):
                wv[r, pl.ds(base + j * LANES, LANES)] = ss[j] * inv
        return _

    lax.fori_loop(0, T_PER_SUB, norm_row, None)
    pltpu.sync_copy(wv, table_hbm.at[pl.ds(trow, T_PER_SUB)])
    plsc.subcore_barrier()

    wid = sid * NUM_CORES + cid
    bbase = wid * B_PER_W
    pltpu.sync_copy(idx_hbm.at[pl.ds(bbase, B_PER_W)], idx_all)
    for c in range(N_CHUNKS):
        off = c * CHUNK
        pltpu.async_copy(
            table_hbm.at[idx_all.at[pl.ds(off, CHUNK)]], rows_v, sem
        ).wait()
        pltpu.sync_copy(rows_v, out_hbm.at[pl.ds(bbase + off, CHUNK)])


def kernel(routing_info, weights):
    idx = routing_info.reshape(BS).astype(jnp.int32)
    out, _ = _sc_run(idx, weights)
    return out.reshape(BS, N_SPLITS, N_SKILLS)

# --- scband reference (transcript-rebuilt; emitter-appended) ---
"""Pipeline reference for scband-polytropon-selector-25245817765929 (READ-ONLY COPY).

The authoritative reference and input builder live on the scoring server;
editing this copy changes nothing except your own understanding.
"""

import jax, jax.numpy as jnp
import numpy as np

EPS = 1e-09
N_TASKS = 1000
N_SKILLS = 64
N_SPLITS = 8
BS = 16384

def setup_inputs(seed: int = 0) -> dict:
    key = jax.random.key(seed)
    k1, k2 = jax.random.split(key)
    routing_info = jax.random.randint(k1, (BS, 1), 0, N_TASKS)
    weights = jax.random.uniform(k2, (N_TASKS, N_SKILLS * N_SPLITS), dtype=jnp.float32)
    return {"routing_info": routing_info, "weights": weights}

def reference(routing_info, weights):
    # gather rows of the task->skill allocation table
    w = jnp.take(weights, routing_info, axis=0)  # (bs, 1, n_skills*n_splits)
    w = w.reshape(-1, N_SPLITS, N_SKILLS)
    # l2_norm is falsy -> skipped
    module_logits = jax.nn.sigmoid(w)
    module_weights = module_logits / (jnp.sum(module_logits, axis=-1, keepdims=True) + EPS)
    # dropout is None -> skipped
    return module_weights

if __name__ == "__main__":
    import jax
    _d = setup_inputs()
    print(jax.jit(kernel)(*tuple(_d.values())))

</pallas_src>

<mosaic_0001>
#map = affine_map<(d0, d1) -> (0)>
#map1 = affine_map<(d0, d1) -> (0, 0)>
module attributes {stable_mosaic.version = 14 : i64} {
  func.func @_sc_run(%arg0: i32, %arg1: i32, %arg2: memref<16384xi32, #tpu.memory_space<hbm>>, %arg3: memref<1000x512xf32, #tpu.memory_space<hbm>>, %arg4: memref<16384x512xf32, #tpu.memory_space<hbm>>, %arg5: memref<1000x512xf32, #tpu.memory_space<hbm>>, %arg6: memref<64x512xf32, #tpu.memory_space<vmem>>, %arg7: memref<512xi32, #tpu.memory_space<vmem>>, %arg8: memref<128x512xf32, #tpu.memory_space<vmem>>, %arg9: memref<!tpu.dma_semaphore, #tpu.memory_space<semaphore_mem>>) attributes {dimension_semantics = [#tpu.dimension_semantics<core_parallel>, #tpu.dimension_semantics<subcore_parallel>], iteration_bounds = array<i64: 2, 16>, scalar_prefetch = 0 : i64, scratch_operands = 4 : i64, tpu.core_type = #tpu.core_type<sc_vector_subcore>, window_params = [{transform_indices = #map}, {transform_indices = #map1}, {transform_indices = #map1}, {transform_indices = #map1}]} {
    %mul3A = arith.constant 64 : i32
    %mul3A_0 = arith.muli %arg1, %mul3A : i32
    %min3A = arith.constant 936 : i32
    %min3A_1 = arith.minsi %mul3A_0, %min3A : i32
    %multiple_of3A = tpu.assume_multiple %min3A_1, 8 : i32
    "tpu.region"() ({
      %run_scoped3A = tpu.sem_alloc : memref<!tpu.dma_semaphore, #tpu.memory_space<semaphore_mem>>
      %dma_start3A_56 = arith.constant 0 : i32
      %dma_start3A_57 = tpu.memref_slice %arg3[%multiple_of3A, %dma_start3A_56] : memref<1000x512xf32, #tpu.memory_space<hbm>> -> memref<64x512xf32, #tpu.memory_space<hbm>>
      %dma_start3A_58 = arith.constant 0 : i32
      %dma_start3A_59 = tpu.memref_slice %arg3[%multiple_of3A, %dma_start3A_58] : memref<1000x512xf32, #tpu.memory_space<hbm>> -> memref<64x512xf32, #tpu.memory_space<hbm>>
      tpu.enqueue_dma source(%dma_start3A_59 : memref<64x512xf32, #tpu.memory_space<hbm>>) target(%arg6 : memref<64x512xf32, #tpu.memory_space<vmem>>) target_semaphore(%run_scoped3A : memref<!tpu.dma_semaphore, #tpu.memory_space<semaphore_mem>>)
      %dma_wait3A_60 = arith.constant 0 : i32
      %dma_wait3A_61 = tpu.memref_slice %arg3[%multiple_of3A, %dma_wait3A_60] : memref<1000x512xf32, #tpu.memory_space<hbm>> -> memref<64x512xf32, #tpu.memory_space<hbm>>
      %dma_wait3A_62 = arith.constant 0 : i32
      %dma_wait3A_63 = tpu.memref_slice %arg3[%multiple_of3A, %dma_wait3A_62] : memref<1000x512xf32, #tpu.memory_space<hbm>> -> memref<64x512xf32, #tpu.memory_space<hbm>>
      tpu.wait_dma2 semaphore(%run_scoped3A : memref<!tpu.dma_semaphore, #tpu.memory_space<semaphore_mem>>) src(%dma_wait3A_63 : memref<64x512xf32, #tpu.memory_space<hbm>>) dst(%arg6 : memref<64x512xf32, #tpu.memory_space<vmem>>)
      tpu.yield
    }) : () -> ()
    %scan3A = arith.constant 0 : i32
    %scan3A_2 = arith.constant 64 : i32
    %scan3A_3 = arith.addi %scan3A, %scan3A_2 : i32
    %scan3A_4 = arith.constant 1 : i32
    scf.for %scan3A_56 = %scan3A to %scan3A_3 step %scan3A_4  : i32 {
      %get3A = arith.index_cast %scan3A_56 : i32 to index
      %get3A_57 = arith.constant 0 : index
      %get3A_58 = tpu.vector_load %arg6[%get3A, %get3A_57] {strides = array<i32>} : memref<64x512xf32, #tpu.memory_space<vmem>>, vector<16xf32>,
      %get3A_59 = arith.index_cast %scan3A_56 : i32 to index
      %get3A_60 = arith.constant 16 : index
      %get3A_61 = tpu.vector_load %arg6[%get3A_59, %get3A_60] {strides = array<i32>} : memref<64x512xf32, #tpu.memory_space<vmem>>, vector<16xf32>,
      %get3A_62 = arith.index_cast %scan3A_56 : i32 to index
      %get3A_63 = arith.constant 32 : index
      %get3A_64 = tpu.vector_load %arg6[%get3A_62, %get3A_63] {strides = array<i32>} : memref<64x512xf32, #tpu.memory_space<vmem>>, vector<16xf32>,
      %get3A_65 = arith.index_cast %scan3A_56 : i32 to index
      %get3A_66 = arith.constant 48 : index
      %get3A_67 = tpu.vector_load %arg6[%get3A_65, %get3A_66] {strides = array<i32>} : memref<64x512xf32, #tpu.memory_space<vmem>>, vector<16xf32>,
      %neg3A = arith.constant 0.000000e+00 : f32
      %neg3A_68 = vector.broadcast %neg3A : f32 to vector<16xf32>
      %neg3A_69 = arith.subf %neg3A_68, %get3A_58 : vector<16xf32>
      %exp3A = math.exp %neg3A_69 : vector<16xf32>
      %add3A_70 = arith.constant 1.000000e+00 : f32
      %add3A_71 = vector.broadcast %add3A_70 : f32 to vector<16xf32>
      %add3A_72 = arith.addf %add3A_71, %exp3A : vector<16xf32>
      %div3A = arith.constant 1.000000e+00 : f32
      %div3A_73 = vector.broadcast %div3A : f32 to vector<16xf32>
      %div3A_74 = arith.divf %div3A_73, %add3A_72 : vector<16xf32>
      %neg3A_75 = arith.constant 0.000000e+00 : f32
      %neg3A_76 = vector.broadcast %neg3A_75 : f32 to vector<16xf32>
      %neg3A_77 = arith.subf %neg3A_76, %get3A_61 : vector<16xf32>
      %exp3A_78 = math.exp %neg3A_77 : vector<16xf32>
      %add3A_79 = arith.constant 1.000000e+00 : f32
      %add3A_80 = vector.broadcast %add3A_79 : f32 to vector<16xf32>
      %add3A_81 = arith.addf %add3A_80, %exp3A_78 : vector<16xf32>
      %div3A_82 = arith.constant 1.000000e+00 : f32
      %div3A_83 = vector.broadcast %div3A_82 : f32 to vector<16xf32>
      %div3A_84 = arith.divf %div3A_83, %add3A_81 : vector<16xf32>
      %neg3A_85 = arith.constant 0.000000e+00 : f32
      %neg3A_86 = vector.broadcast %neg3A_85 : f32 to vector<16xf32>
      %neg3A_87 = arith.subf %neg3A_86, %get3A_64 : vector<16xf32>
      %exp3A_88 = math.exp %neg3A_87 : vector<16xf32>
      %add3A_89 = arith.constant 1.000000e+00 : f32
      %add3A_90 = vector.broadcast %add3A_89 : f32 to vector<16xf32>
      %add3A_91 = arith.addf %add3A_90, %exp3A_88 : vector<16xf32>
      %div3A_92 = arith.constant 1.000000e+00 : f32
      %div3A_93 = vector.broadcast %div3A_92 : f32 to vector<16xf32>
      %div3A_94 = arith.divf %div3A_93, %add3A_91 : vector<16xf32>
      %neg3A_95 = arith.constant 0.000000e+00 : f32
      %neg3A_96 = vector.broadcast %neg3A_95 : f32 to vector<16xf32>
      %neg3A_97 = arith.subf %neg3A_96, %get3A_67 : vector<16xf32>
      %exp3A_98 = math.exp %neg3A_97 : vector<16xf32>
      %add3A_99 = arith.constant 1.000000e+00 : f32
      %add3A_100 = vector.broadcast %add3A_99 : f32 to vector<16xf32>
      %add3A_101 = arith.addf %add3A_100, %exp3A_98 : vector<16xf32>
      %div3A_102 = arith.constant 1.000000e+00 : f32
      %div3A_103 = vector.broadcast %div3A_102 : f32 to vector<16xf32>
      %div3A_104 = arith.divf %div3A_103, %add3A_101 : vector<16xf32>
      %add3A_105 = arith.addf %div3A_74, %div3A_84 : vector<16xf32>
      %add3A_106 = arith.addf %add3A_105, %div3A_94 : vector<16xf32>
      %add3A_107 = arith.addf %add3A_106, %div3A_104 : vector<16xf32>
      %reduce_sum3A = arith.constant true
      %reduce_sum3A_108 = vector.broadcast %reduce_sum3A : i1 to vector<16xi1>
      %reduce_sum3A_109 = tpu.scan <sum>, %add3A_107 masked %reduce_sum3A_108 : vector<16xf32>, vector<16xi1> -> vector<16xf32>
      %reduce_sum3A_110 = vector.extract %reduce_sum3A_109[15] : f32 from vector<16xf32>
      %broadcast_in_dim3A = vector.broadcast %reduce_sum3A_110 : f32 to vector<16xf32>
      %add3A_111 = arith.constant 9.99999971E-10 : f32
      %add3A_112 = vector.broadcast %add3A_111 : f32 to vector<16xf32>
      %add3A_113 = arith.addf %broadcast_in_dim3A, %add3A_112 : vector<16xf32>
      %div3A_114 = arith.constant 1.000000e+00 : f32
      %div3A_115 = vector.broadcast %div3A_114 : f32 to vector<16xf32>
      %div3A_116 = arith.divf %div3A_115, %add3A_113 : vector<16xf32>
      %mul3A_117 = arith.mulf %div3A_74, %div3A_116 : vector<16xf32>
      %swap3A = arith.index_cast %scan3A_56 : i32 to index
      %swap3A_118 = arith.constant 0 : index
      %swap3A_119 = tpu.vector_load %arg6[%swap3A, %swap3A_118] {strides = array<i32>} : memref<64x512xf32, #tpu.memory_space<vmem>>, vector<16xf32>,
      tpu.vector_store %arg6[%swap3A, %swap3A_118], %mul3A_117 {strides = array<i32>} : memref<64x512xf32, #tpu.memory_space<vmem>>, vector<16xf32>,
      %mul3A_120 = arith.mulf %div3A_84, %div3A_116 : vector<16xf32>
      %swap3A_121 = arith.index_cast %scan3A_56 : i32 to index
      %swap3A_122 = arith.constant 16 : index
      %swap3A_123 = tpu.vector_load %arg6[%swap3A_121, %swap3A_122] {strides = array<i32>} : memref<64x512xf32, #tpu.memory_space<vmem>>, vector<16xf32>,
      tpu.vector_store %arg6[%swap3A_121, %swap3A_122], %mul3A_120 {strides = array<i32>} : memref<64x512xf32, #tpu.memory_space<vmem>>, vector<16xf32>,
      %mul3A_124 = arith.mulf %div3A_94, %div3A_116 : vector<16xf32>
      %swap3A_125 = arith.index_cast %scan3A_56 : i32 to index
      %swap3A_126 = arith.constant 32 : index
      %swap3A_127 = tpu.vector_load %arg6[%swap3A_125, %swap3A_126] {strides = array<i32>} : memref<64x512xf32, #tpu.memory_space<vmem>>, vector<16xf32>,
      tpu.vector_store %arg6[%swap3A_125, %swap3A_126], %mul3A_124 {strides = array<i32>} : memref<64x512xf32, #tpu.memory_space<vmem>>, vector<16xf32>,
      %mul3A_128 = arith.mulf %div3A_104, %div3A_116 : vector<16xf32>
      %swap3A_129 = arith.index_cast %scan3A_56 : i32 to index
      %swap3A_130 = arith.constant 48 : index
      %swap3A_131 = tpu.vector_load %arg6[%swap3A_129, %swap3A_130] {strides = array<i32>} : memref<64x512xf32, #tpu.memory_space<vmem>>, vector<16xf32>,
      tpu.vector_store %arg6[%swap3A_129, %swap3A_130], %mul3A_128 {strides = array<i32>} : memref<64x512xf32, #tpu.memory_space<vmem>>, vector<16xf32>,
      %get3A_132 = arith.index_cast %scan3A_56 : i32 to index
      %get3A_133 = arith.constant 64 : index
      %get3A_134 = tpu.vector_load %arg6[%get3A_132, %get3A_133] {strides = array<i32>} : memref<64x512xf32, #tpu.memory_space<vmem>>, vector<16xf32>,
      %get3A_135 = arith.index_cast %scan3A_56 : i32 to index
      %get3A_136 = arith.constant 80 : index
      %get3A_137 = tpu.vector_load %arg6[%get3A_135, %get3A_136] {strides = array<i32>} : memref<64x512xf32, #tpu.memory_space<vmem>>, vector<16xf32>,
      %get3A_138 = arith.index_cast %scan3A_56 : i32 to index
      %get3A_139 = arith.constant 96 : index
      %get3A_140 = tpu.vector_load %arg6[%get3A_138, %get3A_139] {strides = array<i32>} : memref<64x512xf32, #tpu.memory_space<vmem>>, vector<16xf32>,
      %get3A_141 = arith.index_cast %scan3A_56 : i32 to index
      %get3A_142 = arith.constant 112 : index
      %get3A_143 = tpu.vector_load %arg6[%get3A_141, %get3A_142] {strides = array<i32>} : memref<64x512xf32, #tpu.memory_space<vmem>>, vector<16xf32>,
      %neg3A_144 = arith.constant 0.000000e+00 : f32
      %neg3A_145 = vector.broadcast %neg3A_144 : f32 to vector<16xf32>
      %neg3A_146 = arith.subf %neg3A_145, %get3A_134 : vector<16xf32>
      %exp3A_147 = math.exp %neg3A_146 : vector<16xf32>
      %add3A_148 = arith.constant 1.000000e+00 : f32
      %add3A_149 = vector.broadcast %add3A_148 : f32 to vector<16xf32>
      %add3A_150 = arith.addf %add3A_149, %exp3A_147 : vector<16xf32>
      %div3A_151 = arith.constant 1.000000e+00 : f32
      %div3A_152 = vector.broadcast %div3A_151 : f32 to vector<16xf32>
      %div3A_153 = arith.divf %div3A_152, %add3A_150 : vector<16xf32>
      %neg3A_154 = arith.constant 0.000000e+00 : f32
      %neg3A_155 = vector.broadcast %neg3A_154 : f32 to vector<16xf32>
      %neg3A_156 = arith.subf %neg3A_155, %get3A_137 : vector<16xf32>
      %exp3A_157 = math.exp %neg3A_156 : vector<16xf32>
      %add3A_158 = arith.constant 1.000000e+00 : f32
      %add3A_159 = vector.broadcast %add3A_158 : f32 to vector<16xf32>
      %add3A_160 = arith.addf %add3A_159, %exp3A_157 : vector<16xf32>
      %div3A_161 = arith.constant 1.000000e+00 : f32
      %div3A_162 = vector.broadcast %div3A_161 : f32 to vector<16xf32>
      %div3A_163 = arith.divf %div3A_162, %add3A_160 : vector<16xf32>
      %neg3A_164 = arith.constant 0.000000e+00 : f32
      %neg3A_165 = vector.broadcast %neg3A_164 : f32 to vector<16xf32>
      %neg3A_166 = arith.subf %neg3A_165, %get3A_140 : vector<16xf32>
      %exp3A_167 = math.exp %neg3A_166 : vector<16xf32>
      %add3A_168 = arith.constant 1.000000e+00 : f32
      %add3A_169 = vector.broadcast %add3A_168 : f32 to vector<16xf32>
      %add3A_170 = arith.addf %add3A_169, %exp3A_167 : vector<16xf32>
      %div3A_171 = arith.constant 1.000000e+00 : f32
      %div3A_172 = vector.broadcast %div3A_171 : f32 to vector<16xf32>
      %div3A_173 = arith.divf %div3A_172, %add3A_170 : vector<16xf32>
      %neg3A_174 = arith.constant 0.000000e+00 : f32
      %neg3A_175 = vector.broadcast %neg3A_174 : f32 to vector<16xf32>
      %neg3A_176 = arith.subf %neg3A_175, %get3A_143 : vector<16xf32>
      %exp3A_177 = math.exp %neg3A_176 : vector<16xf32>
      %add3A_178 = arith.constant 1.000000e+00 : f32
      %add3A_179 = vector.broadcast %add3A_178 : f32 to vector<16xf32>
      %add3A_180 = arith.addf %add3A_179, %exp3A_177 : vector<16xf32>
      %div3A_181 = arith.constant 1.000000e+00 : f32
      %div3A_182 = vector.broadcast %div3A_181 : f32 to vector<16xf32>
      %div3A_183 = arith.divf %div3A_182, %add3A_180 : vector<16xf32>
      %add3A_184 = arith.addf %div3A_153, %div3A_163 : vector<16xf32>
      %add3A_185 = arith.addf %add3A_184, %div3A_173 : vector<16xf32>
      %add3A_186 = arith.addf %add3A_185, %div3A_183 : vector<16xf32>
      %reduce_sum3A_187 = arith.constant true
      %reduce_sum3A_188 = vector.broadcast %reduce_sum3A_187 : i1 to vector<16xi1>
      %reduce_sum3A_189 = tpu.scan <sum>, %add3A_186 masked %reduce_sum3A_188 : vector<16xf32>, vector<16xi1> -> vector<16xf32>
      %reduce_sum3A_190 = vector.extract %reduce_sum3A_189[15] : f32 from vector<16xf32>
      %broadcast_in_dim3A_191 = vector.broadcast %reduce_sum3A_190 : f32 to vector<16xf32>
      %add3A_192 = arith.constant 9.99999971E-10 : f32
      %add3A_193 = vector.broadcast %add3A_192 : f32 to vector<16xf32>
      %add3A_194 = arith.addf %broadcast_in_dim3A_191, %add3A_193 : vector<16xf32>
      %div3A_195 = arith.constant 1.000000e+00 : f32
      %div3A_196 = vector.broadcast %div3A_195 : f32 to vector<16xf32>
      %div3A_197 = arith.divf %div3A_196, %add3A_194 : vector<16xf32>
      %mul3A_198 = arith.mulf %div3A_153, %div3A_197 : vector<16xf32>
      %swap3A_199 = arith.index_cast %scan3A_56 : i32 to index
      %swap3A_200 = arith.constant 64 : index
      %swap3A_201 = tpu.vector_load %arg6[%swap3A_199, %swap3A_200] {strides = array<i32>} : memref<64x512xf32, #tpu.memory_space<vmem>>, vector<16xf32>,
      tpu.vector_store %arg6[%swap3A_199, %swap3A_200], %mul3A_198 {strides = array<i32>} : memref<64x512xf32, #tpu.memory_space<vmem>>, vector<16xf32>,
      %mul3A_202 = arith.mulf %div3A_163, %div3A_197 : vector<16xf32>
      %swap3A_203 = arith.index_cast %scan3A_56 : i32 to index
      %swap3A_204 = arith.constant 80 : index
      %swap3A_205 = tpu.vector_load %arg6[%swap3A_203, %swap3A_204] {strides = array<i32>} : memref<64x512xf32, #tpu.memory_space<vmem>>, vector<16xf32>,
      tpu.vector_store %arg6[%swap3A_203, %swap3A_204], %mul3A_202 {strides = array<i32>} : memref<64x512xf32, #tpu.memory_space<vmem>>, vector<16xf32>,
      %mul3A_206 = arith.mulf %div3A_173, %div3A_197 : vector<16xf32>
      %swap3A_207 = arith.index_cast %scan3A_56 : i32 to index
      %swap3A_208 = arith.constant 96 : index
      %swap3A_209 = tpu.vector_load %arg6[%swap3A_207, %swap3A_208] {strides = array<i32>} : memref<64x512xf32, #tpu.memory_space<vmem>>, vector<16xf32>,
      tpu.vector_store %arg6[%swap3A_207, %swap3A_208], %mul3A_206 {strides = array<i32>} : memref<64x512xf32, #tpu.memory_space<vmem>>, vector<16xf32>,
      %mul3A_210 = arith.mulf %div3A_183, %div3A_197 : vector<16xf32>
      %swap3A_211 = arith.index_cast %scan3A_56 : i32 to index
      %swap3A_212 = arith.constant 112 : index
      %swap3A_213 = tpu.vector_load %arg6[%swap3A_211, %swap3A_212] {strides = array<i32>} : memref<64x512xf32, #tpu.memory_space<vmem>>, vector<16xf32>,
      tpu.vector_store %arg6[%swap3A_211, %swap3A_212], %mul3A_210 {strides = array<i32>} : memref<64x512xf32, #tpu.memory_space<vmem>>, vector<16xf32>,
      %get3A_214 = arith.index_cast %scan3A_56 : i32 to index
      %get3A_215 = arith.constant 128 : index
      %get3A_216 = tpu.vector_load %arg6[%get3A_214, %get3A_215] {strides = array<i32>} : memref<64x512xf32, #tpu.memory_space<vmem>>, vector<16xf32>,
      %get3A_217 = arith.index_cast %scan3A_56 : i32 to index
      %get3A_218 = arith.constant 144 : index
      %get3A_219 = tpu.vector_load %arg6[%get3A_217, %get3A_218] {strides = array<i32>} : memref<64x512xf32, #tpu.memory_space<vmem>>, vector<16xf32>,
      %get3A_220 = arith.index_cast %scan3A_56 : i32 to index
      %get3A_221 = arith.constant 160 : index
      %get3A_222 = tpu.vector_load %arg6[%get3A_220, %get3A_221] {strides = array<i32>} : memref<64x512xf32, #tpu.memory_space<vmem>>, vector<16xf32>,
      %get3A_223 = arith.index_cast %scan3A_56 : i32 to index
      %get3A_224 = arith.constant 176 : index
      %get3A_225 = tpu.vector_load %arg6[%get3A_223, %get3A_224] {strides = array<i32>} : memref<64x512xf32, #tpu.memory_space<vmem>>, vector<16xf32>,
      %neg3A_226 = arith.constant 0.000000e+00 : f32
      %neg3A_227 = vector.broadcast %neg3A_226 : f32 to vector<16xf32>
      %neg3A_228 = arith.subf %neg3A_227, %get3A_216 : vector<16xf32>
      %exp3A_229 = math.exp %neg3A_228 : vector<16xf32>
      %add3A_230 = arith.constant 1.000000e+00 : f32
      %add3A_231 = vector.broadcast %add3A_230 : f32 to vector<16xf32>
      %add3A_232 = arith.addf %add3A_231, %exp3A_229 : vector<16xf32>
      %div3A_233 = arith.constant 1.000000e+00 : f32
      %div3A_234 = vector.broadcast %div3A_233 : f32 to vector<16xf32>
      %div3A_235 = arith.divf %div3A_234, %add3A_232 : vector<16xf32>
      %neg3A_236 = arith.constant 0.000000e+00 : f32
      %neg3A_237 = vector.broadcast %neg3A_236 : f32 to vector<16xf32>
      %neg3A_238 = arith.subf %neg3A_237, %get3A_219 : vector<16xf32>
      %exp3A_239 = math.exp %neg3A_238 : vector<16xf32>
      %add3A_240 = arith.constant 1.000000e+00 : f32
      %add3A_241 = vector.broadcast %add3A_240 : f32 to vector<16xf32>
      %add3A_242 = arith.addf %add3A_241, %exp3A_239 : vector<16xf32>
      %div3A_243 = arith.constant 1.000000e+00 : f32
      %div3A_244 = vector.broadcast %div3A_243 : f32 to vector<16xf32>
      %div3A_245 = arith.divf %div3A_244, %add3A_242 : vector<16xf32>
      %neg3A_246 = arith.constant 0.000000e+00 : f32
      %neg3A_247 = vector.broadcast %neg3A_246 : f32 to vector<16xf32>
      %neg3A_248 = arith.subf %neg3A_247, %get3A_222 : vector<16xf32>
      %exp3A_249 = math.exp %neg3A_248 : vector<16xf32>
      %add3A_250 = arith.constant 1.000000e+00 : f32
      %add3A_251 = vector.broadcast %add3A_250 : f32 to vector<16xf32>
      %add3A_252 = arith.addf %add3A_251, %exp3A_249 : vector<16xf32>
      %div3A_253 = arith.constant 1.000000e+00 : f32
      %div3A_254 = vector.broadcast %div3A_253 : f32 to vector<16xf32>
      %div3A_255 = arith.divf %div3A_254, %add3A_252 : vector<16xf32>
      %neg3A_256 = arith.constant 0.000000e+00 : f32
      %neg3A_257 = vector.broadcast %neg3A_256 : f32 to vector<16xf32>
      %neg3A_258 = arith.subf %neg3A_257, %get3A_225 : vector<16xf32>
      %exp3A_259 = math.exp %neg3A_258 : vector<16xf32>
      %add3A_260 = arith.constant 1.000000e+00 : f32
      %add3A_261 = vector.broadcast %add3A_260 : f32 to vector<16xf32>
      %add3A_262 = arith.addf %add3A_261, %exp3A_259 : vector<16xf32>
      %div3A_263 = arith.constant 1.000000e+00 : f32
      %div3A_264 = vector.broadcast %div3A_263 : f32 to vector<16xf32>
      %div3A_265 = arith.divf %div3A_264, %add3A_262 : vector<16xf32>
      %add3A_266 = arith.addf %div3A_235, %div3A_245 : vector<16xf32>
      %add3A_267 = arith.addf %add3A_266, %div3A_255 : vector<16xf32>
      %add3A_268 = arith.addf %add3A_267, %div3A_265 : vector<16xf32>
      %reduce_sum3A_269 = arith.constant true
      %reduce_sum3A_270 = vector.broadcast %reduce_sum3A_269 : i1 to vector<16xi1>
      %reduce_sum3A_271 = tpu.scan <sum>, %add3A_268 masked %reduce_sum3A_270 : vector<16xf32>, vector<16xi1> -> vector<16xf32>
      %reduce_sum3A_272 = vector.extract %reduce_sum3A_271[15] : f32 from vector<16xf32>
      %broadcast_in_dim3A_273 = vector.broadcast %reduce_sum3A_272 : f32 to vector<16xf32>
      %add3A_274 = arith.constant 9.99999971E-10 : f32
      %add3A_275 = vector.broadcast %add3A_274 : f32 to vector<16xf32>
      %add3A_276 = arith.addf %broadcast_in_dim3A_273, %add3A_275 : vector<16xf32>
      %div3A_277 = arith.constant 1.000000e+00 : f32
      %div3A_278 = vector.broadcast %div3A_277 : f32 to vector<16xf32>
      %div3A_279 = arith.divf %div3A_278, %add3A_276 : vector<16xf32>
      %mul3A_280 = arith.mulf %div3A_235, %div3A_279 : vector<16xf32>
      %swap3A_281 = arith.index_cast %scan3A_56 : i32 to index
      %swap3A_282 = arith.constant 128 : index
      %swap3A_283 = tpu.vector_load %arg6[%swap3A_281, %swap3A_282] {strides = array<i32>} : memref<64x512xf32, #tpu.memory_space<vmem>>, vector<16xf32>,
      tpu.vector_store %arg6[%swap3A_281, %swap3A_282], %mul3A_280 {strides = array<i32>} : memref<64x512xf32, #tpu.memory_space<vmem>>, vector<16xf32>,
      %mul3A_284 = arith.mulf %div3A_245, %div3A_279 : vector<16xf32>
      %swap3A_285 = arith.index_cast %scan3A_56 : i32 to index
      %swap3A_286 = arith.constant 144 : index
      %swap3A_287 = tpu.vector_load %arg6[%swap3A_285, %swap3A_286] {strides = array<i32>} : memref<64x512xf32, #tpu.memory_space<vmem>>, vector<16xf32>,
      tpu.vector_store %arg6[%swap3A_285, %swap3A_286], %mul3A_284 {strides = array<i32>} : memref<64x512xf32, #tpu.memory_space<vmem>>, vector<16xf32>,
      %mul3A_288 = arith.mulf %div3A_255, %div3A_279 : vector<16xf32>
      %swap3A_289 = arith.index_cast %scan3A_56 : i32 to index
      %swap3A_290 = arith.constant 160 : index
      %swap3A_291 = tpu.vector_load %arg6[%swap3A_289, %swap3A_290] {strides = array<i32>} : memref<64x512xf32, #tpu.memory_space<vmem>>, vector<16xf32>,
      tpu.vector_store %arg6[%swap3A_289, %swap3A_290], %mul3A_288 {strides = array<i32>} : memref<64x512xf32, #tpu.memory_space<vmem>>, vector<16xf32>,
      %mul3A_292 = arith.mulf %div3A_265, %div3A_279 : vector<16xf32>
      %swap3A_293 = arith.index_cast %scan3A_56 : i32 to index
      %swap3A_294 = arith.constant 176 : index
      %swap3A_295 = tpu.vector_load %arg6[%swap3A_293, %swap3A_294] {strides = array<i32>} : memref<64x512xf32, #tpu.memory_space<vmem>>, vector<16xf32>,
      tpu.vector_store %arg6[%swap3A_293, %swap3A_294], %mul3A_292 {strides = array<i32>} : memref<64x512xf32, #tpu.memory_space<vmem>>, vector<16xf32>,
      %get3A_296 = arith.index_cast %scan3A_56 : i32 to index
      %get3A_297 = arith.constant 192 : index
      %get3A_298 = tpu.vector_load %arg6[%get3A_296, %get3A_297] {strides = array<i32>} : memref<64x512xf32, #tpu.memory_space<vmem>>, vector<16xf32>,
      %get3A_299 = arith.index_cast %scan3A_56 : i32 to index
      %get3A_300 = arith.constant 208 : index
      %get3A_301 = tpu.vector_load %arg6[%get3A_299, %get3A_300] {strides = array<i32>} : memref<64x512xf32, #tpu.memory_space<vmem>>, vector<16xf32>,
      %get3A_302 = arith.index_cast %scan3A_56 : i32 to index
      %get3A_303 = arith.constant 224 : index
      %get3A_304 = tpu.vector_load %arg6[%get3A_302, %get3A_303] {strides = array<i32>} : memref<64x512xf32, #tpu.memory_space<vmem>>, vector<16xf32>,
      %get3A_305 = arith.index_cast %scan3A_56 : i32 to index
      %get3A_306 = arith.constant 240 : index
      %get3A_307 = tpu.vector_load %arg6[%get3A_305, %get3A_306] {strides = array<i32>} : memref<64x512xf32, #tpu.memory_space<vmem>>, vector<16xf32>,
      %neg3A_308 = arith.constant 0.000000e+00 : f32
      %neg3A_309 = vector.broadcast %neg3A_308 : f32 to vector<16xf32>
      %neg3A_310 = arith.subf %neg3A_309, %get3A_298 : vector<16xf32>
      %exp3A_311 = math.exp %neg3A_310 : vector<16xf32>
      %add3A_312 = arith.constant 1.000000e+00 : f32
      %add3A_313 = vector.broadcast %add3A_312 : f32 to vector<16xf32>
      %add3A_314 = arith.addf %add3A_313, %exp3A_311 : vector<16xf32>
      %div3A_315 = arith.constant 1.000000e+00 : f32
      %div3A_316 = vector.broadcast %div3A_315 : f32 to vector<16xf32>
      %div3A_317 = arith.divf %div3A_316, %add3A_314 : vector<16xf32>
      %neg3A_318 = arith.constant 0.000000e+00 : f32
      %neg3A_319 = vector.broadcast %neg3A_318 : f32 to vector<16xf32>
      %neg3A_320 = arith.subf %neg3A_319, %get3A_301 : vector<16xf32>
      %exp3A_321 = math.exp %neg3A_320 : vector<16xf32>
      %add3A_322 = arith.constant 1.000000e+00 : f32
      %add3A_323 = vector.broadcast %add3A_322 : f32 to vector<16xf32>
      %add3A_324 = arith.addf %add3A_323, %exp3A_321 : vector<16xf32>
      %div3A_325 = arith.constant 1.000000e+00 : f32
      %div3A_326 = vector.broadcast %div3A_325 : f32 to vector<16xf32>
      %div3A_327 = arith.divf %div3A_326, %add3A_324 : vector<16xf32>
      %neg3A_328 = arith.constant 0.000000e+00 : f32
      %neg3A_329 = vector.broadcast %neg3A_328 : f32 to vector<16xf32>
      %neg3A_330 = arith.subf %neg3A_329, %get3A_304 : vector<16xf32>
      %exp3A_331 = math.exp %neg3A_330 : vector<16xf32>
      %add3A_332 = arith.constant 1.000000e+00 : f32
      %add3A_333 = vector.broadcast %add3A_332 : f32 to vector<16xf32>
      %add3A_334 = arith.addf %add3A_333, %exp3A_331 : vector<16xf32>
      %div3A_335 = arith.constant 1.000000e+00 : f32
      %div3A_336 = vector.broadcast %div3A_335 : f32 to vector<16xf32>
      %div3A_337 = arith.divf %div3A_336, %add3A_334 : vector<16xf32>
      %neg3A_338 = arith.constant 0.000000e+00 : f32
      %neg3A_339 = vector.broadcast %neg3A_338 : f32 to vector<16xf32>
      %neg3A_340 = arith.subf %neg3A_339, %get3A_307 : vector<16xf32>
      %exp3A_341 = math.exp %neg3A_340 : vector<16xf32>
      %add3A_342 = arith.constant 1.000000e+00 : f32
      %add3A_343 = vector.broadcast %add3A_342 : f32 to vector<16xf32>
      %add3A_344 = arith.addf %add3A_343, %exp3A_341 : vector<16xf32>
      %div3A_345 = arith.constant 1.000000e+00 : f32
      %div3A_346 = vector.broadcast %div3A_345 : f32 to vector<16xf32>
      %div3A_347 = arith.divf %div3A_346, %add3A_344 : vector<16xf32>
      %add3A_348 = arith.addf %div3A_317, %div3A_327 : vector<16xf32>
      %add3A_349 = arith.addf %add3A_348, %div3A_337 : vector<16xf32>
      %add3A_350 = arith.addf %add3A_349, %div3A_347 : vector<16xf32>
      %reduce_sum3A_351 = arith.constant true
      %reduce_sum3A_352 = vector.broadcast %reduce_sum3A_351 : i1 to vector<16xi1>
      %reduce_sum3A_353 = tpu.scan <sum>, %add3A_350 masked %reduce_sum3A_352 : vector<16xf32>, vector<16xi1> -> vector<16xf32>
      %reduce_sum3A_354 = vector.extract %reduce_sum3A_353[15] : f32 from vector<16xf32>
      %broadcast_in_dim3A_355 = vector.broadcast %reduce_sum3A_354 : f32 to vector<16xf32>
      %add3A_356 = arith.constant 9.99999971E-10 : f32
      %add3A_357 = vector.broadcast %add3A_356 : f32 to vector<16xf32>
      %add3A_358 = arith.addf %broadcast_in_dim3A_355, %add3A_357 : vector<16xf32>
      %div3A_359 = arith.constant 1.000000e+00 : f32
      %div3A_360 = vector.broadcast %div3A_359 : f32 to vector<16xf32>
      %div3A_361 = arith.divf %div3A_360, %add3A_358 : vector<16xf32>
      %mul3A_362 = arith.mulf %div3A_317, %div3A_361 : vector<16xf32>
      %swap3A_363 = arith.index_cast %scan3A_56 : i32 to index
      %swap3A_364 = arith.constant 192 : index
      %swap3A_365 = tpu.vector_load %arg6[%swap3A_363, %swap3A_364] {strides = array<i32>} : memref<64x512xf32, #tpu.memory_space<vmem>>, vector<16xf32>,
      tpu.vector_store %arg6[%swap3A_363, %swap3A_364], %mul3A_362 {strides = array<i32>} : memref<64x512xf32, #tpu.memory_space<vmem>>, vector<16xf32>,
      %mul3A_366 = arith.mulf %div3A_327, %div3A_361 : vector<16xf32>
      %swap3A_367 = arith.index_cast %scan3A_56 : i32 to index
      %swap3A_368 = arith.constant 208 : index
      %swap3A_369 = tpu.vector_load %arg6[%swap3A_367, %swap3A_368] {strides = array<i32>} : memref<64x512xf32, #tpu.memory_space<vmem>>, vector<16xf32>,
      tpu.vector_store %arg6[%swap3A_367, %swap3A_368], %mul3A_366 {strides = array<i32>} : memref<64x512xf32, #tpu.memory_space<vmem>>, vector<16xf32>,
      %mul3A_370 = arith.mulf %div3A_337, %div3A_361 : vector<16xf32>
      %swap3A_371 = arith.index_cast %scan3A_56 : i32 to index
      %swap3A_372 = arith.constant 224 : index
      %swap3A_373 = tpu.vector_load %arg6[%swap3A_371, %swap3A_372] {strides = array<i32>} : memref<64x512xf32, #tpu.memory_space<vmem>>, vector<16xf32>,
      tpu.vector_store %arg6[%swap3A_371, %swap3A_372], %mul3A_370 {strides = array<i32>} : memref<64x512xf32, #tpu.memory_space<vmem>>, vector<16xf32>,
      %mul3A_374 = arith.mulf %div3A_347, %div3A_361 : vector<16xf32>
      %swap3A_375 = arith.index_cast %scan3A_56 : i32 to index
      %swap3A_376 = arith.constant 240 : index
      %swap3A_377 = tpu.vector_load %arg6[%swap3A_375, %swap3A_376] {strides = array<i32>} : memref<64x512xf32, #tpu.memory_space<vmem>>, vector<16xf32>,
      tpu.vector_store %arg6[%swap3A_375, %swap3A_376], %mul3A_374 {strides = array<i32>} : memref<64x512xf32, #tpu.memory_space<vmem>>, vector<16xf32>,
      %get3A_378 = arith.index_cast %scan3A_56 : i32 to index
      %get3A_379 = arith.constant 256 : index
      %get3A_380 = tpu.vector_load %arg6[%get3A_378, %get3A_379] {strides = array<i32>} : memref<64x512xf32, #tpu.memory_space<vmem>>, vector<16xf32>,
      %get3A_381 = arith.index_cast %scan3A_56 : i32 to index
      %get3A_382 = arith.constant 272 : index
      %get3A_383 = tpu.vector_load %arg6[%get3A_381, %get3A_382] {strides = array<i32>} : memref<64x512xf32, #tpu.memory_space<vmem>>, vector<16xf32>,
      %get3A_384 = arith.index_cast %scan3A_56 : i32 to index
      %get3A_385 = arith.constant 288 : index
      %get3A_386 = tpu.vector_load %arg6[%get3A_384, %get3A_385] {strides = array<i32>} : memref<64x512xf32, #tpu.memory_space<vmem>>, vector<16xf32>,
      %get3A_387 = arith.index_cast %scan3A_56 : i32 to index
      %get3A_388 = arith.constant 304 : index
      %get3A_389 = tpu.vector_load %arg6[%get3A_387, %get3A_388] {strides = array<i32>} : memref<64x512xf32, #tpu.memory_space<vmem>>, vector<16xf32>,
      %neg3A_390 = arith.constant 0.000000e+00 : f32
      %neg3A_391 = vector.broadcast %neg3A_390 : f32 to vector<16xf32>
      %neg3A_392 = arith.subf %neg3A_391, %get3A_380 : vector<16xf32>
      %exp3A_393 = math.exp %neg3A_392 : vector<16xf32>
      %add3A_394 = arith.constant 1.000000e+00 : f32
      %add3A_395 = vector.broadcast %add3A_394 : f32 to vector<16xf32>
      %add3A_396 = arith.addf %add3A_395, %exp3A_393 : vector<16xf32>
      %div3A_397 = arith.constant 1.000000e+00 : f32
      %div3A_398 = vector.broadcast %div3A_397 : f32 to vector<16xf32>
      %div3A_399 = arith.divf %div3A_398, %add3A_396 : vector<16xf32>
      %neg3A_400 = arith.constant 0.000000e+00 : f32
      %neg3A_401 = vector.broadcast %neg3A_400 : f32 to vector<16xf32>
      %neg3A_402 = arith.subf %neg3A_401, %get3A_383 : vector<16xf32>
      %exp3A_403 = math.exp %neg3A_402 : vector<16xf32>
      %add3A_404 = arith.constant 1.000000e+00 : f32
      %add3A_405 = vector.broadcast %add3A_404 : f32 to vector<16xf32>
      %add3A_406 = arith.addf %add3A_405, %exp3A_403 : vector<16xf32>
      %div3A_407 = arith.constant 1.000000e+00 : f32
      %div3A_408 = vector.broadcast %div3A_407 : f32 to vector<16xf32>
      %div3A_409 = arith.divf %div3A_408, %add3A_406 : vector<16xf32>
      %neg3A_410 = arith.constant 0.000000e+00 : f32
      %neg3A_411 = vector.broadcast %neg3A_410 : f32 to vector<16xf32>
      %neg3A_412 = arith.subf %neg3A_411, %get3A_386 : vector<16xf32>
      %exp3A_413 = math.exp %neg3A_412 : vector<16xf32>
      %add3A_414 = arith.constant 1.000000e+00 : f32
      %add3A_415 = vector.broadcast %add3A_414 : f32 to vector<16xf32>
      %add3A_416 = arith.addf %add3A_415, %exp3A_413 : vector<16xf32>
      %div3A_417 = arith.constant 1.000000e+00 : f32
      %div3A_418 = vector.broadcast %div3A_417 : f32 to vector<16xf32>
      %div3A_419 = arith.divf %div3A_418, %add3A_416 : vector<16xf32>
      %neg3A_420 = arith.constant 0.000000e+00 : f32
      %neg3A_421 = vector.broadcast %neg3A_420 : f32 to vector<16xf32>
      %neg3A_422 = arith.subf %neg3A_421, %get3A_389 : vector<16xf32>
      %exp3A_423 = math.exp %neg3A_422 : vector<16xf32>
      %add3A_424 = arith.constant 1.000000e+00 : f32
      %add3A_425 = vector.broadcast %add3A_424 : f32 to vector<16xf32>
      %add3A_426 = arith.addf %add3A_425, %exp3A_423 : vector<16xf32>
      %div3A_427 = arith.constant 1.000000e+00 : f32
      %div3A_428 = vector.broadcast %div3A_427 : f32 to vector<16xf32>
      %div3A_429 = arith.divf %div3A_428, %add3A_426 : vector<16xf32>
      %add3A_430 = arith.addf %div3A_399, %div3A_409 : vector<16xf32>
      %add3A_431 = arith.addf %add3A_430, %div3A_419 : vector<16xf32>
      %add3A_432 = arith.addf %add3A_431, %div3A_429 : vector<16xf32>
      %reduce_sum3A_433 = arith.constant true
      %reduce_sum3A_434 = vector.broadcast %reduce_sum3A_433 : i1 to vector<16xi1>
      %reduce_sum3A_435 = tpu.scan <sum>, %add3A_432 masked %reduce_sum3A_434 : vector<16xf32>, vector<16xi1> -> vector<16xf32>
      %reduce_sum3A_436 = vector.extract %reduce_sum3A_435[15] : f32 from vector<16xf32>
      %broadcast_in_dim3A_437 = vector.broadcast %reduce_sum3A_436 : f32 to vector<16xf32>
      %add3A_438 = arith.constant 9.99999971E-10 : f32
      %add3A_439 = vector.broadcast %add3A_438 : f32 to vector<16xf32>
      %add3A_440 = arith.addf %broadcast_in_dim3A_437, %add3A_439 : vector<16xf32>
      %div3A_441 = arith.constant 1.000000e+00 : f32
      %div3A_442 = vector.broadcast %div3A_441 : f32 to vector<16xf32>
      %div3A_443 = arith.divf %div3A_442, %add3A_440 : vector<16xf32>
      %mul3A_444 = arith.mulf %div3A_399, %div3A_443 : vector<16xf32>
      %swap3A_445 = arith.index_cast %scan3A_56 : i32 to index
      %swap3A_446 = arith.constant 256 : index
      %swap3A_447 = tpu.vector_load %arg6[%swap3A_445, %swap3A_446] {strides = array<i32>} : memref<64x512xf32, #tpu.memory_space<vmem>>, vector<16xf32>,
      tpu.vector_store %arg6[%swap3A_445, %swap3A_446], %mul3A_444 {strides = array<i32>} : memref<64x512xf32, #tpu.memory_space<vmem>>, vector<16xf32>,
      %mul3A_448 = arith.mulf %div3A_409, %div3A_443 : vector<16xf32>
      %swap3A_449 = arith.index_cast %scan3A_56 : i32 to index
      %swap3A_450 = arith.constant 272 : index
      %swap3A_451 = tpu.vector_load %arg6[%swap3A_449, %swap3A_450] {strides = array<i32>} : memref<64x512xf32, #tpu.memory_space<vmem>>, vector<16xf32>,
      tpu.vector_store %arg6[%swap3A_449, %swap3A_450], %mul3A_448 {strides = array<i32>} : memref<64x512xf32, #tpu.memory_space<vmem>>, vector<16xf32>,
      %mul3A_452 = arith.mulf %div3A_419, %div3A_443 : vector<16xf32>
      %swap3A_453 = arith.index_cast %scan3A_56 : i32 to index
      %swap3A_454 = arith.constant 288 : index
      %swap3A_455 = tpu.vector_load %arg6[%swap3A_453, %swap3A_454] {strides = array<i32>} : memref<64x512xf32, #tpu.memory_space<vmem>>, vector<16xf32>,
      tpu.vector_store %arg6[%swap3A_453, %swap3A_454], %mul3A_452 {strides = array<i32>} : memref<64x512xf32, #tpu.memory_space<vmem>>, vector<16xf32>,
      %mul3A_456 = arith.mulf %div3A_429, %div3A_443 : vector<16xf32>
      %swap3A_457 = arith.index_cast %scan3A_56 : i32 to index
      %swap3A_458 = arith.constant 304 : index
      %swap3A_459 = tpu.vector_load %arg6[%swap3A_457, %swap3A_458] {strides = array<i32>} : memref<64x512xf32, #tpu.memory_space<vmem>>, vector<16xf32>,
      tpu.vector_store %arg6[%swap3A_457, %swap3A_458], %mul3A_456 {strides = array<i32>} : memref<64x512xf32, #tpu.memory_space<vmem>>, vector<16xf32>,
      %get3A_460 = arith.index_cast %scan3A_56 : i32 to index
      %get3A_461 = arith.constant 320 : index
      %get3A_462 = tpu.vector_load %arg6[%get3A_460, %get3A_461] {strides = array<i32>} : memref<64x512xf32, #tpu.memory_space<vmem>>, vector<16xf32>,
      %get3A_463 = arith.index_cast %scan3A_56 : i32 to index
      %get3A_464 = arith.constant 336 : index
      %get3A_465 = tpu.vector_load %arg6[%get3A_463, %get3A_464] {strides = array<i32>} : memref<64x512xf32, #tpu.memory_space<vmem>>, vector<16xf32>,
      %get3A_466 = arith.index_cast %scan3A_56 : i32 to index
      %get3A_467 = arith.constant 352 : index
      %get3A_468 = tpu.vector_load %arg6[%get3A_466, %get3A_467] {strides = array<i32>} : memref<64x512xf32, #tpu.memory_space<vmem>>, vector<16xf32>,
      %get3A_469 = arith.index_cast %scan3A_56 : i32 to index
      %get3A_470 = arith.constant 368 : index
      %get3A_471 = tpu.vector_load %arg6[%get3A_469, %get3A_470] {strides = array<i32>} : memref<64x512xf32, #tpu.memory_space<vmem>>, vector<16xf32>,
      %neg3A_472 = arith.constant 0.000000e+00 : f32
      %neg3A_473 = vector.broadcast %neg3A_472 : f32 to vector<16xf32>
      %neg3A_474 = arith.subf %neg3A_473, %get3A_462 : vector<16xf32>
      %exp3A_475 = math.exp %neg3A_474 : vector<16xf32>
      %add3A_476 = arith.constant 1.000000e+00 : f32
      %add3A_477 = vector.broadcast %add3A_476 : f32 to vector<16xf32>
      %add3A_478 = arith.addf %add3A_477, %exp3A_475 : vector<16xf32>
      %div3A_479 = arith.constant 1.000000e+00 : f32
      %div3A_480 = vector.broadcast %div3A_479 : f32 to vector<16xf32>
      %div3A_481 = arith.divf %div3A_480, %add3A_478 : vector<16xf32>
      %neg3A_482 = arith.constant 0.000000e+00 : f32
      %neg3A_483 = vector.broadcast %neg3A_482 : f32 to vector<16xf32>
      %neg3A_484 = arith.subf %neg3A_483, %get3A_465 : vector<16xf32>
      %exp3A_485 = math.exp %neg3A_484 : vector<16xf32>
      %add3A_486 = arith.constant 1.000000e+00 : f32
      %add3A_487 = vector.broadcast %add3A_486 : f32 to vector<16xf32>
      %add3A_488 = arith.addf %add3A_487, %exp3A_485 : vector<16xf32>
      %div3A_489 = arith.constant 1.000000e+00 : f32
      %div3A_490 = vector.broadcast %div3A_489 : f32 to vector<16xf32>
      %div3A_491 = arith.divf %div3A_490, %add3A_488 : vector<16xf32>
      %neg3A_492 = arith.constant 0.000000e+00 : f32
      %neg3A_493 = vector.broadcast %neg3A_492 : f32 to vector<16xf32>
      %neg3A_494 = arith.subf %neg3A_493, %get3A_468 : vector<16xf32>
      %exp3A_495 = math.exp %neg3A_494 : vector<16xf32>
      %add3A_496 = arith.constant 1.000000e+00 : f32
      %add3A_497 = vector.broadcast %add3A_496 : f32 to vector<16xf32>
      %add3A_498 = arith.addf %add3A_497, %exp3A_495 : vector<16xf32>
      %div3A_499 = arith.constant 1.000000e+00 : f32
      %div3A_500 = vector.broadcast %div3A_499 : f32 to vector<16xf32>
      %div3A_501 = arith.divf %div3A_500, %add3A_498 : vector<16xf32>
      %neg3A_502 = arith.constant 0.000000e+00 : f32
      %neg3A_503 = vector.broadcast %neg3A_502 : f32 to vector<16xf32>
      %neg3A_504 = arith.subf %neg3A_503, %get3A_471 : vector<16xf32>
      %exp3A_505 = math.exp %neg3A_504 : vector<16xf32>
      %add3A_506 = arith.constant 1.000000e+00 : f32
      %add3A_507 = vector.broadcast %add3A_506 : f32 to vector<16xf32>
      %add3A_508 = arith.addf %add3A_507, %exp3A_505 : vector<16xf32>
      %div3A_509 = arith.constant 1.000000e+00 : f32
      %div3A_510 = vector.broadcast %div3A_509 : f32 to vector<16xf32>
      %div3A_511 = arith.divf %div3A_510, %add3A_508 : vector<16xf32>
      %add3A_512 = arith.addf %div3A_481, %div3A_491 : vector<16xf32>
      %add3A_513 = arith.addf %add3A_512, %div3A_501 : vector<16xf32>
      %add3A_514 = arith.addf %add3A_513, %div3A_511 : vector<16xf32>
      %reduce_sum3A_515 = arith.constant true
      %reduce_sum3A_516 = vector.broadcast %reduce_sum3A_515 : i1 to vector<16xi1>
      %reduce_sum3A_517 = tpu.scan <sum>, %add3A_514 masked %reduce_sum3A_516 : vector<16xf32>, vector<16xi1> -> vector<16xf32>
      %reduce_sum3A_518 = vector.extract %reduce_sum3A_517[15] : f32 from vector<16xf32>
      %broadcast_in_dim3A_519 = vector.broadcast %reduce_sum3A_518 : f32 to vector<16xf32>
      %add3A_520 = arith.constant 9.99999971E-10 : f32
      %add3A_521 = vector.broadcast %add3A_520 : f32 to vector<16xf32>
      %add3A_522 = arith.addf %broadcast_in_dim3A_519, %add3A_521 : vector<16xf32>
      %div3A_523 = arith.constant 1.000000e+00 : f32
      %div3A_524 = vector.broadcast %div3A_523 : f32 to vector<16xf32>
      %div3A_525 = arith.divf %div3A_524, %add3A_522 : vector<16xf32>
      %mul3A_526 = arith.mulf %div3A_481, %div3A_525 : vector<16xf32>
      %swap3A_527 = arith.index_cast %scan3A_56 : i32 to index
      %swap3A_528 = arith.constant 320 : index
      %swap3A_529 = tpu.vector_load %arg6[%swap3A_527, %swap3A_528] {strides = array<i32>} : memref<64x512xf32, #tpu.memory_space<vmem>>, vector<16xf32>,
      tpu.vector_store %arg6[%swap3A_527, %swap3A_528], %mul3A_526 {strides = array<i32>} : memref<64x512xf32, #tpu.memory_space<vmem>>, vector<16xf32>,
      %mul3A_530 = arith.mulf %div3A_491, %div3A_525 : vector<16xf32>
      %swap3A_531 = arith.index_cast %scan3A_56 : i32 to index
      %swap3A_532 = arith.constant 336 : index
      %swap3A_533 = tpu.vector_load %arg6[%swap3A_531, %swap3A_532] {strides = array<i32>} : memref<64x512xf32, #tpu.memory_space<vmem>>, vector<16xf32>,
      tpu.vector_store %arg6[%swap3A_531, %swap3A_532], %mul3A_530 {strides = array<i32>} : memref<64x512xf32, #tpu.memory_space<vmem>>, vector<16xf32>,
      %mul3A_534 = arith.mulf %div3A_501, %div3A_525 : vector<16xf32>
      %swap3A_535 = arith.index_cast %scan3A_56 : i32 to index
      %swap3A_536 = arith.constant 352 : index
      %swap3A_537 = tpu.vector_load %arg6[%swap3A_535, %swap3A_536] {strides = array<i32>} : memref<64x512xf32, #tpu.memory_space<vmem>>, vector<16xf32>,
      tpu.vector_store %arg6[%swap3A_535, %swap3A_536], %mul3A_534 {strides = array<i32>} : memref<64x512xf32, #tpu.memory_space<vmem>>, vector<16xf32>,
      %mul3A_538 = arith.mulf %div3A_511, %div3A_525 : vector<16xf32>
      %swap3A_539 = arith.index_cast %scan3A_56 : i32 to index
      %swap3A_540 = arith.constant 368 : index
      %swap3A_541 = tpu.vector_load %arg6[%swap3A_539, %swap3A_540] {strides = array<i32>} : memref<64x512xf32, #tpu.memory_space<vmem>>, vector<16xf32>,
      tpu.vector_store %arg6[%swap3A_539, %swap3A_540], %mul3A_538 {strides = array<i32>} : memref<64x512xf32, #tpu.memory_space<vmem>>, vector<16xf32>,
      %get3A_542 = arith.index_cast %scan3A_56 : i32 to index
      %get3A_543 = arith.constant 384 : index
      %get3A_544 = tpu.vector_load %arg6[%get3A_542, %get3A_543] {strides = array<i32>} : memref<64x512xf32, #tpu.memory_space<vmem>>, vector<16xf32>,
      %get3A_545 = arith.index_cast %scan3A_56 : i32 to index
      %get3A_546 = arith.constant 400 : index
      %get3A_547 = tpu.vector_load %arg6[%get3A_545, %get3A_546] {strides = array<i32>} : memref<64x512xf32, #tpu.memory_space<vmem>>, vector<16xf32>,
      %get3A_548 = arith.index_cast %scan3A_56 : i32 to index
      %get3A_549 = arith.constant 416 : index
      %get3A_550 = tpu.vector_load %arg6[%get3A_548, %get3A_549] {strides = array<i32>} : memref<64x512xf32, #tpu.memory_space<vmem>>, vector<16xf32>,
      %get3A_551 = arith.index_cast %scan3A_56 : i32 to index
      %get3A_552 = arith.constant 432 : index
      %get3A_553 = tpu.vector_load %arg6[%get3A_551, %get3A_552] {strides = array<i32>} : memref<64x512xf32, #tpu.memory_space<vmem>>, vector<16xf32>,
      %neg3A_554 = arith.constant 0.000000e+00 : f32
      %neg3A_555 = vector.broadcast %neg3A_554 : f32 to vector<16xf32>
      %neg3A_556 = arith.subf %neg3A_555, %get3A_544 : vector<16xf32>
      %exp3A_557 = math.exp %neg3A_556 : vector<16xf32>
      %add3A_558 = arith.constant 1.000000e+00 : f32
      %add3A_559 = vector.broadcast %add3A_558 : f32 to vector<16xf32>
      %add3A_560 = arith.addf %add3A_559, %exp3A_557 : vector<16xf32>
      %div3A_561 = arith.constant 1.000000e+00 : f32
      %div3A_562 = vector.broadcast %div3A_561 : f32 to vector<16xf32>
      %div3A_563 = arith.divf %div3A_562, %add3A_560 : vector<16xf32>
      %neg3A_564 = arith.constant 0.000000e+00 : f32
      %neg3A_565 = vector.broadcast %neg3A_564 : f32 to vector<16xf32>
      %neg3A_566 = arith.subf %neg3A_565, %get3A_547 : vector<16xf32>
      %exp3A_567 = math.exp %neg3A_566 : vector<16xf32>
      %add3A_568 = arith.constant 1.000000e+00 : f32
      %add3A_569 = vector.broadcast %add3A_568 : f32 to vector<16xf32>
      %add3A_570 = arith.addf %add3A_569, %exp3A_567 : vector<16xf32>
      %div3A_571 = arith.constant 1.000000e+00 : f32
      %div3A_572 = vector.broadcast %div3A_571 : f32 to vector<16xf32>
      %div3A_573 = arith.divf %div3A_572, %add3A_570 : vector<16xf32>
      %neg3A_574 = arith.constant 0.000000e+00 : f32
      %neg3A_575 = vector.broadcast %neg3A_574 : f32 to vector<16xf32>
      %neg3A_576 = arith.subf %neg3A_575, %get3A_550 : vector<16xf32>
      %exp3A_577 = math.exp %neg3A_576 : vector<16xf32>
      %add3A_578 = arith.constant 1.000000e+00 : f32
      %add3A_579 = vector.broadcast %add3A_578 : f32 to vector<16xf32>
      %add3A_580 = arith.addf %add3A_579, %exp3A_577 : vector<16xf32>
      %div3A_581 = arith.constant 1.000000e+00 : f32
      %div3A_582 = vector.broadcast %div3A_581 : f32 to vector<16xf32>
      %div3A_583 = arith.divf %div3A_582, %add3A_580 : vector<16xf32>
      %neg3A_584 = arith.constant 0.000000e+00 : f32
      %neg3A_585 = vector.broadcast %neg3A_584 : f32 to vector<16xf32>
      %neg3A_586 = arith.subf %neg3A_585, %get3A_553 : vector<16xf32>
      %exp3A_587 = math.exp %neg3A_586 : vector<16xf32>
      %add3A_588 = arith.constant 1.000000e+00 : f32
      %add3A_589 = vector.broadcast %add3A_588 : f32 to vector<16xf32>
      %add3A_590 = arith.addf %add3A_589, %exp3A_587 : vector<16xf32>
      %div3A_591 = arith.constant 1.000000e+00 : f32
      %div3A_592 = vector.broadcast %div3A_591 : f32 to vector<16xf32>
      %div3A_593 = arith.divf %div3A_592, %add3A_590 : vector<16xf32>
      %add3A_594 = arith.addf %div3A_563, %div3A_573 : vector<16xf32>
      %add3A_595 = arith.addf %add3A_594, %div3A_583 : vector<16xf32>
      %add3A_596 = arith.addf %add3A_595, %div3A_593 : vector<16xf32>
      %reduce_sum3A_597 = arith.constant true
      %reduce_sum3A_598 = vector.broadcast %reduce_sum3A_597 : i1 to vector<16xi1>
      %reduce_sum3A_599 = tpu.scan <sum>, %add3A_596 masked %reduce_sum3A_598 : vector<16xf32>, vector<16xi1> -> vector<16xf32>
      %reduce_sum3A_600 = vector.extract %reduce_sum3A_599[15] : f32 from vector<16xf32>
      %broadcast_in_dim3A_601 = vector.broadcast %reduce_sum3A_600 : f32 to vector<16xf32>
      %add3A_602 = arith.constant 9.99999971E-10 : f32
      %add3A_603 = vector.broadcast %add3A_602 : f32 to vector<16xf32>
      %add3A_604 = arith.addf %broadcast_in_dim3A_601, %add3A_603 : vector<16xf32>
      %div3A_605 = arith.constant 1.000000e+00 : f32
      %div3A_606 = vector.broadcast %div3A_605 : f32 to vector<16xf32>
      %div3A_607 = arith.divf %div3A_606, %add3A_604 : vector<16xf32>
      %mul3A_608 = arith.mulf %div3A_563, %div3A_607 : vector<16xf32>
      %swap3A_609 = arith.index_cast %scan3A_56 : i32 to index
      %swap3A_610 = arith.constant 384 : index
      %swap3A_611 = tpu.vector_load %arg6[%swap3A_609, %swap3A_610] {strides = array<i32>} : memref<64x512xf32, #tpu.memory_space<vmem>>, vector<16xf32>,
      tpu.vector_store %arg6[%swap3A_609, %swap3A_610], %mul3A_608 {strides = array<i32>} : memref<64x512xf32, #tpu.memory_space<vmem>>, vector<16xf32>,
      %mul3A_612 = arith.mulf %div3A_573, %div3A_607 : vector<16xf32>
      %swap3A_613 = arith.index_cast %scan3A_56 : i32 to index
      %swap3A_614 = arith.constant 400 : index
      %swap3A_615 = tpu.vector_load %arg6[%swap3A_613, %swap3A_614] {strides = array<i32>} : memref<64x512xf32, #tpu.memory_space<vmem>>, vector<16xf32>,
      tpu.vector_store %arg6[%swap3A_613, %swap3A_614], %mul3A_612 {strides = array<i32>} : memref<64x512xf32, #tpu.memory_space<vmem>>, vector<16xf32>,
      %mul3A_616 = arith.mulf %div3A_583, %div3A_607 : vector<16xf32>
      %swap3A_617 = arith.index_cast %scan3A_56 : i32 to index
      %swap3A_618 = arith.constant 416 : index
      %swap3A_619 = tpu.vector_load %arg6[%swap3A_617, %swap3A_618] {strides = array<i32>} : memref<64x512xf32, #tpu.memory_space<vmem>>, vector<16xf32>,
      tpu.vector_store %arg6[%swap3A_617, %swap3A_618], %mul3A_616 {strides = array<i32>} : memref<64x512xf32, #tpu.memory_space<vmem>>, vector<16xf32>,
      %mul3A_620 = arith.mulf %div3A_593, %div3A_607 : vector<16xf32>
      %swap3A_621 = arith.index_cast %scan3A_56 : i32 to index
      %swap3A_622 = arith.constant 432 : index
      %swap3A_623 = tpu.vector_load %arg6[%swap3A_621, %swap3A_622] {strides = array<i32>} : memref<64x512xf32, #tpu.memory_space<vmem>>, vector<16xf32>,
      tpu.vector_store %arg6[%swap3A_621, %swap3A_622], %mul3A_620 {strides = array<i32>} : memref<64x512xf32, #tpu.memory_space<vmem>>, vector<16xf32>,
      %get3A_624 = arith.index_cast %scan3A_56 : i32 to index
      %get3A_625 = arith.constant 448 : index
      %get3A_626 = tpu.vector_load %arg6[%get3A_624, %get3A_625] {strides = array<i32>} : memref<64x512xf32, #tpu.memory_space<vmem>>, vector<16xf32>,
      %get3A_627 = arith.index_cast %scan3A_56 : i32 to index
      %get3A_628 = arith.constant 464 : index
      %get3A_629 = tpu.vector_load %arg6[%get3A_627, %get3A_628] {strides = array<i32>} : memref<64x512xf32, #tpu.memory_space<vmem>>, vector<16xf32>,
      %get3A_630 = arith.index_cast %scan3A_56 : i32 to index
      %get3A_631 = arith.constant 480 : index
      %get3A_632 = tpu.vector_load %arg6[%get3A_630, %get3A_631] {strides = array<i32>} : memref<64x512xf32, #tpu.memory_space<vmem>>, vector<16xf32>,
      %get3A_633 = arith.index_cast %scan3A_56 : i32 to index
      %get3A_634 = arith.constant 496 : index
      %get3A_635 = tpu.vector_load %arg6[%get3A_633, %get3A_634] {strides = array<i32>} : memref<64x512xf32, #tpu.memory_space<vmem>>, vector<16xf32>,
      %neg3A_636 = arith.constant 0.000000e+00 : f32
      %neg3A_637 = vector.broadcast %neg3A_636 : f32 to vector<16xf32>
      %neg3A_638 = arith.subf %neg3A_637, %get3A_626 : vector<16xf32>
      %exp3A_639 = math.exp %neg3A_638 : vector<16xf32>
      %add3A_640 = arith.constant 1.000000e+00 : f32
      %add3A_641 = vector.broadcast %add3A_640 : f32 to vector<16xf32>
      %add3A_642 = arith.addf %add3A_641, %exp3A_639 : vector<16xf32>
      %div3A_643 = arith.constant 1.000000e+00 : f32
      %div3A_644 = vector.broadcast %div3A_643 : f32 to vector<16xf32>
      %div3A_645 = arith.divf %div3A_644, %add3A_642 : vector<16xf32>
      %neg3A_646 = arith.constant 0.000000e+00 : f32
      %neg3A_647 = vector.broadcast %neg3A_646 : f32 to vector<16xf32>
      %neg3A_648 = arith.subf %neg3A_647, %get3A_629 : vector<16xf32>
      %exp3A_649 = math.exp %neg3A_648 : vector<16xf32>
      %add3A_650 = arith.constant 1.000000e+00 : f32
      %add3A_651 = vector.broadcast %add3A_650 : f32 to vector<16xf32>
      %add3A_652 = arith.addf %add3A_651, %exp3A_649 : vector<16xf32>
      %div3A_653 = arith.constant 1.000000e+00 : f32
      %div3A_654 = vector.broadcast %div3A_653 : f32 to vector<16xf32>
      %div3A_655 = arith.divf %div3A_654, %add3A_652 : vector<16xf32>
      %neg3A_656 = arith.constant 0.000000e+00 : f32
      %neg3A_657 = vector.broadcast %neg3A_656 : f32 to vector<16xf32>
      %neg3A_658 = arith.subf %neg3A_657, %get3A_632 : vector<16xf32>
      %exp3A_659 = math.exp %neg3A_658 : vector<16xf32>
      %add3A_660 = arith.constant 1.000000e+00 : f32
      %add3A_661 = vector.broadcast %add3A_660 : f32 to vector<16xf32>
      %add3A_662 = arith.addf %add3A_661, %exp3A_659 : vector<16xf32>
      %div3A_663 = arith.constant 1.000000e+00 : f32
      %div3A_664 = vector.broadcast %div3A_663 : f32 to vector<16xf32>
      %div3A_665 = arith.divf %div3A_664, %add3A_662 : vector<16xf32>
      %neg3A_666 = arith.constant 0.000000e+00 : f32
      %neg3A_667 = vector.broadcast %neg3A_666 : f32 to vector<16xf32>
      %neg3A_668 = arith.subf %neg3A_667, %get3A_635 : vector<16xf32>
      %exp3A_669 = math.exp %neg3A_668 : vector<16xf32>
      %add3A_670 = arith.constant 1.000000e+00 : f32
      %add3A_671 = vector.broadcast %add3A_670 : f32 to vector<16xf32>
      %add3A_672 = arith.addf %add3A_671, %exp3A_669 : vector<16xf32>
      %div3A_673 = arith.constant 1.000000e+00 : f32
      %div3A_674 = vector.broadcast %div3A_673 : f32 to vector<16xf32>
      %div3A_675 = arith.divf %div3A_674, %add3A_672 : vector<16xf32>
      %add3A_676 = arith.addf %div3A_645, %div3A_655 : vector<16xf32>
      %add3A_677 = arith.addf %add3A_676, %div3A_665 : vector<16xf32>
      %add3A_678 = arith.addf %add3A_677, %div3A_675 : vector<16xf32>
      %reduce_sum3A_679 = arith.constant true
      %reduce_sum3A_680 = vector.broadcast %reduce_sum3A_679 : i1 to vector<16xi1>
      %reduce_sum3A_681 = tpu.scan <sum>, %add3A_678 masked %reduce_sum3A_680 : vector<16xf32>, vector<16xi1> -> vector<16xf32>
      %reduce_sum3A_682 = vector.extract %reduce_sum3A_681[15] : f32 from vector<16xf32>
      %broadcast_in_dim3A_683 = vector.broadcast %reduce_sum3A_682 : f32 to vector<16xf32>
      %add3A_684 = arith.constant 9.99999971E-10 : f32
      %add3A_685 = vector.broadcast %add3A_684 : f32 to vector<16xf32>
      %add3A_686 = arith.addf %broadcast_in_dim3A_683, %add3A_685 : vector<16xf32>
      %div3A_687 = arith.constant 1.000000e+00 : f32
      %div3A_688 = vector.broadcast %div3A_687 : f32 to vector<16xf32>
      %div3A_689 = arith.divf %div3A_688, %add3A_686 : vector<16xf32>
      %mul3A_690 = arith.mulf %div3A_645, %div3A_689 : vector<16xf32>
      %swap3A_691 = arith.index_cast %scan3A_56 : i32 to index
      %swap3A_692 = arith.constant 448 : index
      %swap3A_693 = tpu.vector_load %arg6[%swap3A_691, %swap3A_692] {strides = array<i32>} : memref<64x512xf32, #tpu.memory_space<vmem>>, vector<16xf32>,
      tpu.vector_store %arg6[%swap3A_691, %swap3A_692], %mul3A_690 {strides = array<i32>} : memref<64x512xf32, #tpu.memory_space<vmem>>, vector<16xf32>,
      %mul3A_694 = arith.mulf %div3A_655, %div3A_689 : vector<16xf32>
      %swap3A_695 = arith.index_cast %scan3A_56 : i32 to index
      %swap3A_696 = arith.constant 464 : index
      %swap3A_697 = tpu.vector_load %arg6[%swap3A_695, %swap3A_696] {strides = array<i32>} : memref<64x512xf32, #tpu.memory_space<vmem>>, vector<16xf32>,
      tpu.vector_store %arg6[%swap3A_695, %swap3A_696], %mul3A_694 {strides = array<i32>} : memref<64x512xf32, #tpu.memory_space<vmem>>, vector<16xf32>,
      %mul3A_698 = arith.mulf %div3A_665, %div3A_689 : vector<16xf32>
      %swap3A_699 = arith.index_cast %scan3A_56 : i32 to index
      %swap3A_700 = arith.constant 480 : index
      %swap3A_701 = tpu.vector_load %arg6[%swap3A_699, %swap3A_700] {strides = array<i32>} : memref<64x512xf32, #tpu.memory_space<vmem>>, vector<16xf32>,
      tpu.vector_store %arg6[%swap3A_699, %swap3A_700], %mul3A_698 {strides = array<i32>} : memref<64x512xf32, #tpu.memory_space<vmem>>, vector<16xf32>,
      %mul3A_702 = arith.mulf %div3A_675, %div3A_689 : vector<16xf32>
      %swap3A_703 = arith.index_cast %scan3A_56 : i32 to index
      %swap3A_704 = arith.constant 496 : index
      %swap3A_705 = tpu.vector_load %arg6[%swap3A_703, %swap3A_704] {strides = array<i32>} : memref<64x512xf32, #tpu.memory_space<vmem>>, vector<16xf32>,
      tpu.vector_store %arg6[%swap3A_703, %swap3A_704], %mul3A_702 {strides = array<i32>} : memref<64x512xf32, #tpu.memory_space<vmem>>, vector<16xf32>,
    }
    %scan3A_5 = arith.constant 64 : i32
    "tpu.region"() ({
      %run_scoped3A = tpu.sem_alloc : memref<!tpu.dma_semaphore, #tpu.memory_space<semaphore_mem>>
      %dma_start3A_56 = arith.constant 0 : i32
      %dma_start3A_57 = tpu.memref_slice %arg5[%multiple_of3A, %dma_start3A_56] : memref<1000x512xf32, #tpu.memory_space<hbm>> -> memref<64x512xf32, #tpu.memory_space<hbm>>
      %dma_start3A_58 = arith.constant 0 : i32
      %dma_start3A_59 = tpu.memref_slice %arg5[%multiple_of3A, %dma_start3A_58] : memref<1000x512xf32, #tpu.memory_space<hbm>> -> memref<64x512xf32, #tpu.memory_space<hbm>>
      tpu.enqueue_dma source(%arg6 : memref<64x512xf32, #tpu.memory_space<vmem>>) target(%dma_start3A_59 : memref<64x512xf32, #tpu.memory_space<hbm>>) target_semaphore(%run_scoped3A : memref<!tpu.dma_semaphore, #tpu.memory_space<semaphore_mem>>)
      %dma_wait3A_60 = arith.constant 0 : i32
      %dma_wait3A_61 = tpu.memref_slice %arg5[%multiple_of3A, %dma_wait3A_60] : memref<1000x512xf32, #tpu.memory_space<hbm>> -> memref<64x512xf32, #tpu.memory_space<hbm>>
      %dma_wait3A_62 = arith.constant 0 : i32
      %dma_wait3A_63 = tpu.memref_slice %arg5[%multiple_of3A, %dma_wait3A_62] : memref<1000x512xf32, #tpu.memory_space<hbm>> -> memref<64x512xf32, #tpu.memory_space<hbm>>
      tpu.wait_dma2 semaphore(%run_scoped3A : memref<!tpu.dma_semaphore, #tpu.memory_space<semaphore_mem>>) src(%arg6 : memref<64x512xf32, #tpu.memory_space<vmem>>) dst(%dma_wait3A_63 : memref<64x512xf32, #tpu.memory_space<hbm>>)
      tpu.yield
    }) : () -> ()
    %barrier3A = arith.constant 0 : index
    tpu.barrier barrier_id(%barrier3A)
    %mul3A_6 = arith.constant 2 : i32
    %mul3A_7 = arith.muli %arg1, %mul3A_6 : i32
    %add3A = arith.addi %mul3A_7, %arg0 : i32
    %mul3A_8 = arith.constant 512 : i32
    %mul3A_9 = arith.muli %add3A, %mul3A_8 : i32
    "tpu.region"() ({
      %run_scoped3A = tpu.sem_alloc : memref<!tpu.dma_semaphore, #tpu.memory_space<semaphore_mem>>
      %dma_start3A_56 = tpu.memref_slice %arg2[%mul3A_9] : memref<16384xi32, #tpu.memory_space<hbm>> -> memref<512xi32, #tpu.memory_space<hbm>>
      %dma_start3A_57 = tpu.memref_slice %arg2[%mul3A_9] : memref<16384xi32, #tpu.memory_space<hbm>> -> memref<512xi32, #tpu.memory_space<hbm>>
      tpu.enqueue_dma source(%dma_start3A_57 : memref<512xi32, #tpu.memory_space<hbm>>) target(%arg7 : memref<512xi32, #tpu.memory_space<vmem>>) target_semaphore(%run_scoped3A : memref<!tpu.dma_semaphore, #tpu.memory_space<semaphore_mem>>)
      %dma_wait3A_58 = tpu.memref_slice %arg2[%mul3A_9] : memref<16384xi32, #tpu.memory_space<hbm>> -> memref<512xi32, #tpu.memory_space<hbm>>
      %dma_wait3A_59 = tpu.memref_slice %arg2[%mul3A_9] : memref<16384xi32, #tpu.memory_space<hbm>> -> memref<512xi32, #tpu.memory_space<hbm>>
      tpu.wait_dma2 semaphore(%run_scoped3A : memref<!tpu.dma_semaphore, #tpu.memory_space<semaphore_mem>>) src(%dma_wait3A_59 : memref<512xi32, #tpu.memory_space<hbm>>) dst(%arg7 : memref<512xi32, #tpu.memory_space<vmem>>)
      tpu.yield
    }) : () -> ()
    %dma_start3A = arith.constant 0 : i32
    %dma_start3A_10 = tpu.memref_slice %arg7[%dma_start3A] : memref<512xi32, #tpu.memory_space<vmem>> -> memref<128xi32, #tpu.memory_space<vmem>>
    %dma_start3A_11 = arith.constant 0 : i32
    %dma_start3A_12 = arith.constant 0 : i32
    %dma_start3A_13 = tpu.memref_slice %arg5[%dma_start3A_11, %dma_start3A_12] : memref<1000x512xf32, #tpu.memory_space<hbm>> -> memref<1000x512xf32, #tpu.memory_space<hbm>>
    tpu.enqueue_indirect_dma source(%dma_start3A_13 : memref<1000x512xf32, #tpu.memory_space<hbm>>) target(%arg8 : memref<128x512xf32, #tpu.memory_space<vmem>>) offsets(%dma_start3A_10 : memref<128xi32, #tpu.memory_space<vmem>>) semaphore(%arg9 : memref<!tpu.dma_semaphore, #tpu.memory_space<semaphore_mem>>)
    %dma_wait3A = arith.constant 0 : i32
    %dma_wait3A_14 = tpu.memref_slice %arg7[%dma_wait3A] : memref<512xi32, #tpu.memory_space<vmem>> -> memref<128xi32, #tpu.memory_space<vmem>>
    %dma_wait3A_15 = arith.constant 0 : i32
    %dma_wait3A_16 = arith.constant 0 : i32
    %dma_wait3A_17 = tpu.memref_slice %arg5[%dma_wait3A_15, %dma_wait3A_16] : memref<1000x512xf32, #tpu.memory_space<hbm>> -> memref<1000x512xf32, #tpu.memory_space<hbm>>
    tpu.wait_indirect_dma semaphore(%arg9 : memref<!tpu.dma_semaphore, #tpu.memory_space<semaphore_mem>>) src(%dma_wait3A_17 : memref<1000x512xf32, #tpu.memory_space<hbm>>) dst(%arg8 : memref<128x512xf32, #tpu.memory_space<vmem>>)
    %add3A_18 = arith.constant 0 : i32
    %add3A_19 = arith.addi %mul3A_9, %add3A_18 : i32
    "tpu.region"() ({
      %run_scoped3A = tpu.sem_alloc : memref<!tpu.dma_semaphore, #tpu.memory_space<semaphore_mem>>
      %dma_start3A_56 = arith.constant 0 : i32
      %dma_start3A_57 = tpu.memref_slice %arg4[%add3A_19, %dma_start3A_56] : memref<16384x512xf32, #tpu.memory_space<hbm>> -> memref<128x512xf32, #tpu.memory_space<hbm>>
      %dma_start3A_58 = arith.constant 0 : i32
      %dma_start3A_59 = tpu.memref_slice %arg4[%add3A_19, %dma_start3A_58] : memref<16384x512xf32, #tpu.memory_space<hbm>> -> memref<128x512xf32, #tpu.memory_space<hbm>>
      tpu.enqueue_dma source(%arg8 : memref<128x512xf32, #tpu.memory_space<vmem>>) target(%dma_start3A_59 : memref<128x512xf32, #tpu.memory_space<hbm>>) target_semaphore(%run_scoped3A : memref<!tpu.dma_semaphore, #tpu.memory_space<semaphore_mem>>)
      %dma_wait3A_60 = arith.constant 0 : i32
      %dma_wait3A_61 = tpu.memref_slice %arg4[%add3A_19, %dma_wait3A_60] : memref<16384x512xf32, #tpu.memory_space<hbm>> -> memref<128x512xf32, #tpu.memory_space<hbm>>
      %dma_wait3A_62 = arith.constant 0 : i32
      %dma_wait3A_63 = tpu.memref_slice %arg4[%add3A_19, %dma_wait3A_62] : memref<16384x512xf32, #tpu.memory_space<hbm>> -> memref<128x512xf32, #tpu.memory_space<hbm>>
      tpu.wait_dma2 semaphore(%run_scoped3A : memref<!tpu.dma_semaphore, #tpu.memory_space<semaphore_mem>>) src(%arg8 : memref<128x512xf32, #tpu.memory_space<vmem>>) dst(%dma_wait3A_63 : memref<128x512xf32, #tpu.memory_space<hbm>>)
      tpu.yield
    }) : () -> ()
    %dma_start3A_20 = arith.constant 128 : i32
    %dma_start3A_21 = tpu.memref_slice %arg7[%dma_start3A_20] : memref<512xi32, #tpu.memory_space<vmem>> -> memref<128xi32, #tpu.memory_space<vmem>>
    %dma_start3A_22 = arith.constant 0 : i32
    %dma_start3A_23 = arith.constant 0 : i32
    %dma_start3A_24 = tpu.memref_slice %arg5[%dma_start3A_22, %dma_start3A_23] : memref<1000x512xf32, #tpu.memory_space<hbm>> -> memref<1000x512xf32, #tpu.memory_space<hbm>>
    tpu.enqueue_indirect_dma source(%dma_start3A_24 : memref<1000x512xf32, #tpu.memory_space<hbm>>) target(%arg8 : memref<128x512xf32, #tpu.memory_space<vmem>>) offsets(%dma_start3A_21 : memref<128xi32, #tpu.memory_space<vmem>>) semaphore(%arg9 : memref<!tpu.dma_semaphore, #tpu.memory_space<semaphore_mem>>)
    %dma_wait3A_25 = arith.constant 128 : i32
    %dma_wait3A_26 = tpu.memref_slice %arg7[%dma_wait3A_25] : memref<512xi32, #tpu.memory_space<vmem>> -> memref<128xi32, #tpu.memory_space<vmem>>
    %dma_wait3A_27 = arith.constant 0 : i32
    %dma_wait3A_28 = arith.constant 0 : i32
    %dma_wait3A_29 = tpu.memref_slice %arg5[%dma_wait3A_27, %dma_wait3A_28] : memref<1000x512xf32, #tpu.memory_space<hbm>> -> memref<1000x512xf32, #tpu.memory_space<hbm>>
    tpu.wait_indirect_dma semaphore(%arg9 : memref<!tpu.dma_semaphore, #tpu.memory_space<semaphore_mem>>) src(%dma_wait3A_29 : memref<1000x512xf32, #tpu.memory_space<hbm>>) dst(%arg8 : memref<128x512xf32, #tpu.memory_space<vmem>>)
    %add3A_30 = arith.constant 128 : i32
    %add3A_31 = arith.addi %mul3A_9, %add3A_30 : i32
    "tpu.region"() ({
      %run_scoped3A = tpu.sem_alloc : memref<!tpu.dma_semaphore, #tpu.memory_space<semaphore_mem>>
      %dma_start3A_56 = arith.constant 0 : i32
      %dma_start3A_57 = tpu.memref_slice %arg4[%add3A_31, %dma_start3A_56] : memref<16384x512xf32, #tpu.memory_space<hbm>> -> memref<128x512xf32, #tpu.memory_space<hbm>>
      %dma_start3A_58 = arith.constant 0 : i32
      %dma_start3A_59 = tpu.memref_slice %arg4[%add3A_31, %dma_start3A_58] : memref<16384x512xf32, #tpu.memory_space<hbm>> -> memref<128x512xf32, #tpu.memory_space<hbm>>
      tpu.enqueue_dma source(%arg8 : memref<128x512xf32, #tpu.memory_space<vmem>>) target(%dma_start3A_59 : memref<128x512xf32, #tpu.memory_space<hbm>>) target_semaphore(%run_scoped3A : memref<!tpu.dma_semaphore, #tpu.memory_space<semaphore_mem>>)
      %dma_wait3A_60 = arith.constant 0 : i32
      %dma_wait3A_61 = tpu.memref_slice %arg4[%add3A_31, %dma_wait3A_60] : memref<16384x512xf32, #tpu.memory_space<hbm>> -> memref<128x512xf32, #tpu.memory_space<hbm>>
      %dma_wait3A_62 = arith.constant 0 : i32
      %dma_wait3A_63 = tpu.memref_slice %arg4[%add3A_31, %dma_wait3A_62] : memref<16384x512xf32, #tpu.memory_space<hbm>> -> memref<128x512xf32, #tpu.memory_space<hbm>>
      tpu.wait_dma2 semaphore(%run_scoped3A : memref<!tpu.dma_semaphore, #tpu.memory_space<semaphore_mem>>) src(%arg8 : memref<128x512xf32, #tpu.memory_space<vmem>>) dst(%dma_wait3A_63 : memref<128x512xf32, #tpu.memory_space<hbm>>)
      tpu.yield
    }) : () -> ()
    %dma_start3A_32 = arith.constant 256 : i32
    %dma_start3A_33 = tpu.memref_slice %arg7[%dma_start3A_32] : memref<512xi32, #tpu.memory_space<vmem>> -> memref<128xi32, #tpu.memory_space<vmem>>
    %dma_start3A_34 = arith.constant 0 : i32
    %dma_start3A_35 = arith.constant 0 : i32
    %dma_start3A_36 = tpu.memref_slice %arg5[%dma_start3A_34, %dma_start3A_35] : memref<1000x512xf32, #tpu.memory_space<hbm>> -> memref<1000x512xf32, #tpu.memory_space<hbm>>
    tpu.enqueue_indirect_dma source(%dma_start3A_36 : memref<1000x512xf32, #tpu.memory_space<hbm>>) target(%arg8 : memref<128x512xf32, #tpu.memory_space<vmem>>) offsets(%dma_start3A_33 : memref<128xi32, #tpu.memory_space<vmem>>) semaphore(%arg9 : memref<!tpu.dma_semaphore, #tpu.memory_space<semaphore_mem>>)
    %dma_wait3A_37 = arith.constant 256 : i32
    %dma_wait3A_38 = tpu.memref_slice %arg7[%dma_wait3A_37] : memref<512xi32, #tpu.memory_space<vmem>> -> memref<128xi32, #tpu.memory_space<vmem>>
    %dma_wait3A_39 = arith.constant 0 : i32
    %dma_wait3A_40 = arith.constant 0 : i32
    %dma_wait3A_41 = tpu.memref_slice %arg5[%dma_wait3A_39, %dma_wait3A_40] : memref<1000x512xf32, #tpu.memory_space<hbm>> -> memref<1000x512xf32, #tpu.memory_space<hbm>>
    tpu.wait_indirect_dma semaphore(%arg9 : memref<!tpu.dma_semaphore, #tpu.memory_space<semaphore_mem>>) src(%dma_wait3A_41 : memref<1000x512xf32, #tpu.memory_space<hbm>>) dst(%arg8 : memref<128x512xf32, #tpu.memory_space<vmem>>)
    %add3A_42 = arith.constant 256 : i32
    %add3A_43 = arith.addi %mul3A_9, %add3A_42 : i32
    "tpu.region"() ({
      %run_scoped3A = tpu.sem_alloc : memref<!tpu.dma_semaphore, #tpu.memory_space<semaphore_mem>>
      %dma_start3A_56 = arith.constant 0 : i32
      %dma_start3A_57 = tpu.memref_slice %arg4[%add3A_43, %dma_start3A_56] : memref<16384x512xf32, #tpu.memory_space<hbm>> -> memref<128x512xf32, #tpu.memory_space<hbm>>
      %dma_start3A_58 = arith.constant 0 : i32
      %dma_start3A_59 = tpu.memref_slice %arg4[%add3A_43, %dma_start3A_58] : memref<16384x512xf32, #tpu.memory_space<hbm>> -> memref<128x512xf32, #tpu.memory_space<hbm>>
      tpu.enqueue_dma source(%arg8 : memref<128x512xf32, #tpu.memory_space<vmem>>) target(%dma_start3A_59 : memref<128x512xf32, #tpu.memory_space<hbm>>) target_semaphore(%run_scoped3A : memref<!tpu.dma_semaphore, #tpu.memory_space<semaphore_mem>>)
      %dma_wait3A_60 = arith.constant 0 : i32
      %dma_wait3A_61 = tpu.memref_slice %arg4[%add3A_43, %dma_wait3A_60] : memref<16384x512xf32, #tpu.memory_space<hbm>> -> memref<128x512xf32, #tpu.memory_space<hbm>>
      %dma_wait3A_62 = arith.constant 0 : i32
      %dma_wait3A_63 = tpu.memref_slice %arg4[%add3A_43, %dma_wait3A_62] : memref<16384x512xf32, #tpu.memory_space<hbm>> -> memref<128x512xf32, #tpu.memory_space<hbm>>
      tpu.wait_dma2 semaphore(%run_scoped3A : memref<!tpu.dma_semaphore, #tpu.memory_space<semaphore_mem>>) src(%arg8 : memref<128x512xf32, #tpu.memory_space<vmem>>) dst(%dma_wait3A_63 : memref<128x512xf32, #tpu.memory_space<hbm>>)
      tpu.yield
    }) : () -> ()
    %dma_start3A_44 = arith.constant 384 : i32
    %dma_start3A_45 = tpu.memref_slice %arg7[%dma_start3A_44] : memref<512xi32, #tpu.memory_space<vmem>> -> memref<128xi32, #tpu.memory_space<vmem>>
    %dma_start3A_46 = arith.constant 0 : i32
    %dma_start3A_47 = arith.constant 0 : i32
    %dma_start3A_48 = tpu.memref_slice %arg5[%dma_start3A_46, %dma_start3A_47] : memref<1000x512xf32, #tpu.memory_space<hbm>> -> memref<1000x512xf32, #tpu.memory_space<hbm>>
    tpu.enqueue_indirect_dma source(%dma_start3A_48 : memref<1000x512xf32, #tpu.memory_space<hbm>>) target(%arg8 : memref<128x512xf32, #tpu.memory_space<vmem>>) offsets(%dma_start3A_45 : memref<128xi32, #tpu.memory_space<vmem>>) semaphore(%arg9 : memref<!tpu.dma_semaphore, #tpu.memory_space<semaphore_mem>>)
    %dma_wait3A_49 = arith.constant 384 : i32
    %dma_wait3A_50 = tpu.memref_slice %arg7[%dma_wait3A_49] : memref<512xi32, #tpu.memory_space<vmem>> -> memref<128xi32, #tpu.memory_space<vmem>>
    %dma_wait3A_51 = arith.constant 0 : i32
    %dma_wait3A_52 = arith.constant 0 : i32
    %dma_wait3A_53 = tpu.memref_slice %arg5[%dma_wait3A_51, %dma_wait3A_52] : memref<1000x512xf32, #tpu.memory_space<hbm>> -> memref<1000x512xf32, #tpu.memory_space<hbm>>
    tpu.wait_indirect_dma semaphore(%arg9 : memref<!tpu.dma_semaphore, #tpu.memory_space<semaphore_mem>>) src(%dma_wait3A_53 : memref<1000x512xf32, #tpu.memory_space<hbm>>) dst(%arg8 : memref<128x512xf32, #tpu.memory_space<vmem>>)
    %add3A_54 = arith.constant 384 : i32
    %add3A_55 = arith.addi %mul3A_9, %add3A_54 : i32
    "tpu.region"() ({
      %run_scoped3A = tpu.sem_alloc : memref<!tpu.dma_semaphore, #tpu.memory_space<semaphore_mem>>
      %dma_start3A_56 = arith.constant 0 : i32
      %dma_start3A_57 = tpu.memref_slice %arg4[%add3A_55, %dma_start3A_56] : memref<16384x512xf32, #tpu.memory_space<hbm>> -> memref<128x512xf32, #tpu.memory_space<hbm>>
      %dma_start3A_58 = arith.constant 0 : i32
      %dma_start3A_59 = tpu.memref_slice %arg4[%add3A_55, %dma_start3A_58] : memref<16384x512xf32, #tpu.memory_space<hbm>> -> memref<128x512xf32, #tpu.memory_space<hbm>>
      tpu.enqueue_dma source(%arg8 : memref<128x512xf32, #tpu.memory_space<vmem>>) target(%dma_start3A_59 : memref<128x512xf32, #tpu.memory_space<hbm>>) target_semaphore(%run_scoped3A : memref<!tpu.dma_semaphore, #tpu.memory_space<semaphore_mem>>)
      %dma_wait3A_60 = arith.constant 0 : i32
      %dma_wait3A_61 = tpu.memref_slice %arg4[%add3A_55, %dma_wait3A_60] : memref<16384x512xf32, #tpu.memory_space<hbm>> -> memref<128x512xf32, #tpu.memory_space<hbm>>
      %dma_wait3A_62 = arith.constant 0 : i32
      %dma_wait3A_63 = tpu.memref_slice %arg4[%add3A_55, %dma_wait3A_62] : memref<16384x512xf32, #tpu.memory_space<hbm>> -> memref<128x512xf32, #tpu.memory_space<hbm>>
      tpu.wait_dma2 semaphore(%run_scoped3A : memref<!tpu.dma_semaphore, #tpu.memory_space<semaphore_mem>>) src(%arg8 : memref<128x512xf32, #tpu.memory_space<vmem>>) dst(%dma_wait3A_63 : memref<128x512xf32, #tpu.memory_space<hbm>>)
      tpu.yield
    }) : () -> ()
    return
  }
}

</mosaic_0001>

<sc_bundles>
// kernel: kernel.3.cloned.1.call-start
scs
__scs_entry_jumppad:
0x0: {  	(pc) =	sbr.rel $0x88, $3  }
0x1: {  	(tag) =	ssettag $0x0;
	lr =	simm.s32 $0x1  }
0x2: {  	[smem:$0x3F9F] =	sst lr;
	_ =	strace $0xD0000000  }
0x3: {  	_ = 	snop  }
0x4: {  	_ = 	snop  }
0x5: {  	_ = 	snop  }
0x6: {  	_ = 	snop  }
0x7: {  	_ = 	snop  }
__scs_overlays_trampoline_lowered:
0x8: {  	[smem:$0x3FAE] =	sst s0  }
0x9: {  	[smem:$0x3FAF] =	sst s1  }
0xa: {  	[smem:$0x3FB0] =	sst s2  }
0xb: {  	[smem:$0x3FB1] =	sst s3  }
0xc: {  	[smem:$0x3FB2] =	sst s4  }
0xd: {  	[smem:$0x3FB3] =	sst s5  }
0xe: {  	[smem:$0x3FB4] =	sst s6  }
0xf: {  	[smem:$0x3FB5] =	sst s7  }
0x10: {  	[smem:$0x3FB6] =	sst s8  }
0x11: {  	[smem:$0x3FB7] =	sst s9;
	s0 =	simm.s32 @!p0 $0x0  }
0x12: {  	s1 =	sld [smem:$0x3F9D];
	s0 =	simm.s32 @p0 $0x1  }
0x13: {  	[smem:$0x3FB8] =	sst s0;
	s0 =	simm.s32 @!p1 $0x0  }
0x14: {  	s2 =	sld [smem:$0x3F9C];
	s0 =	simm.s32 @p1 $0x1  }
0x15: {  	[smem:$0x3FB9] =	sst s0;
	s0 =	simm.s32 @!p2 $0x0  }
0x16: {  	s3 =	sld [smem:$0x3FDB];
	s0 =	simm.s32 @p2 $0x1  }
0x17: {  	s4 =	simm.s32 $0x1BF5;
	[smem:$0x3FBB] =	sst s0  }
0x18: {  	s0 =	sld [smem:$0x3F9E];
	_ =	swait.ge [sflag:s4], $0x0  }
0x19: {  	s7 =	sld [smem:$0x3F9F]  }
0x1a: {  	s8 =	sadd.s32 $0xFFFFE003, lr  }
0x1b: {  	s9 =	sadd.s32 $0xFFFFFEF7, lr;
	s5 =	simm.s32 $0xFFFFFFFF;
	p2 =	slt.u32 s8, $0xFFFFF086  }
0x1c: {  	p1 =	slt.u32 s9, $0xF7A;
	s5 =	simm.s32 @!p2 $0x0  }
0x1d: {  	s5 =	simm.s32 @p1 $0x1;
	p0 =	seq.s32 s7, s2  }
0x1e: {  	s7 =	smul.u32 @!p0 $0xF7A, s2;
	p2 =	seq.s32 @!p0 s5, $0x0  }
0x1f: {  	s9 =	smul.u32 $0xF7A, s1;
	s8 =	simm.s32 @!p0 $0x1BF5;
	p2 =	por !p2, p0  }
0x20: {  	[sflag:s8] =	ssyncset.s32 @!p0 $0xFFFFF086;
	s6 =	sadd.s32 @!p0 s3, s7;
	s7 =	simm.s32 @!p0 $0x108  }
0x21: {  	s3 =	sadd.s32 s3, s9;
	s6 =	sadd.s32 @!p0 $0x88, s6;
	s7 =	simm.s32 @p2 $0x1082  }
0x22: {  	[simem:s7], [sflag:s8] =	dma.local @!p0 [hbm:s6], $0xF7A  }
0x23: {  	s9 =	sor.u32 $0xD0000000, s2;
	s6 =	simm.s32 $0x108;
	_ =	swait.ge @!p0 [sflag:s8], $0x0  }
0x24: {  	s3 =	sadd.s32 $0x88, s3;
	s6 =	simm.s32 @!p1 $0x1082;
	[sflag:s4] =	ssyncset.s32 $0xFFFFF086  }
0x25: {  	[simem:s6], [sflag:s4] =	dma.local [hbm:s3], $0xF7A  }
0x26: {  	[smem:$0x3F9F] =	sst s1;
	(tag) =	ssettag s2;
	_ =	strace s9  }
0x27: {  	s1 =	sld [smem:$0x3FAF]  }
0x28: {  	s2 =	sld [smem:$0x3FB0]  }
0x29: {  	s4 =	sld [smem:$0x3FB2]  }
0x2a: {  	p0 =	seq.s32 s5, $0x0;
	s5 =	sld [smem:$0x3FB3]  }
0x2b: {  	s6 =	sld [smem:$0x3FB4]  }
0x2c: {  	s7 =	sld [smem:$0x3FB5]  }
0x2d: {  	s3 =	simm.s32 $0x108;
	s8 =	sld [smem:$0x3FB6]  }
0x2e: {  	s3 =	simm.s32 @!p0 $0x1082;
	s9 =	sld [smem:$0x3FB7]  }
0x2f: {  	lr =	sadd.s32 s0, s3;
	s0 =	sld [smem:$0x3FAE]  }
0x30: {  	s3 =	sld [smem:$0x3FB1]  }
0x31: {  	[smem:$0x3FBA] =	sst s10  }
0x32: {  	s10 =	sld [smem:$0x3FB8];
	_ =	sdelay $0x3  }
0x33: {  	p0 =	seq.s32 s10, $0x1;
	s10 =	sld [smem:$0x3FBA];
	_ =	sdelay $0x3  }
0x34: {  	[smem:$0x3FBA] =	sst s10  }
0x35: {  	s10 =	sld [smem:$0x3FB9];
	_ =	sdelay $0x3  }
0x36: {  	p1 =	seq.s32 s10, $0x1;
	s10 =	sld [smem:$0x3FBA];
	_ =	sdelay $0x3  }
0x37: {  	[smem:$0x3FBA] =	sst s10  }
0x38: {  	s10 =	sld [smem:$0x3FBB]  }
0x39: {  	_ = 	snop;
	(pc) =	sbr.ind lr, $3  }
0x3a: {  	_ = 	snop  }
0x3b: {  	_ = 	snop  }
0x3c: {  	p2 =	seq.s32 s10, $0x1;
	s10 =	sld [smem:$0x3FBA]  }
0x3d: {  	_ =	shalt  }
0x3e: {  	_ =	shalt  }
0x3f: {  	_ =	shalt  }
0x40: {  	_ =	shalt  }
0x41: {  	_ =	shalt  }
0x42: {  	_ =	shalt  }
0x43: {  	_ =	shalt  }
0x44: {  	_ =	shalt  }
0x45: {  	_ =	shalt  }
0x46: {  	_ =	shalt  }
0x47: {  	_ =	shalt  }
0x48: {  	_ =	shalt  }
0x49: {  	_ =	shalt  }
0x4a: {  	_ =	shalt  }
0x4b: {  	_ =	shalt  }
0x4c: {  	_ =	shalt  }
0x4d: {  	_ =	shalt  }
0x4e: {  	_ =	shalt  }
0x4f: {  	_ =	shalt  }
0x50: {  	_ =	shalt  }
0x51: {  	_ =	shalt  }
0x52: {  	_ =	shalt  }
0x53: {  	_ =	shalt  }
0x54: {  	_ =	shalt  }
0x55: {  	_ =	shalt  }
0x56: {  	_ =	shalt  }
0x57: {  	_ =	shalt  }
0x58: {  	_ =	shalt  }
0x59: {  	_ =	shalt  }
0x5a: {  	_ =	shalt  }
0x5b: {  	_ =	shalt  }
0x5c: {  	_ =	shalt  }
0x5d: {  	_ =	shalt  }
0x5e: {  	_ =	shalt  }
0x5f: {  	_ =	shalt  }
0x60: {  	_ =	shalt  }
0x61: {  	_ =	shalt  }
0x62: {  	_ =	shalt  }
0x63: {  	_ =	shalt  }
0x64: {  	_ =	shalt  }
0x65: {  	_ =	shalt  }
0x66: {  	_ =	shalt  }
0x67: {  	_ =	shalt  }
0x68: {  	_ =	shalt  }
0x69: {  	_ =	shalt  }
0x6a: {  	_ =	shalt  }
0x6b: {  	_ =	shalt  }
0x6c: {  	_ =	shalt  }
0x6d: {  	_ =	shalt  }
0x6e: {  	_ =	shalt  }
0x6f: {  	_ =	shalt  }
0x70: {  	_ =	shalt  }
0x71: {  	_ =	shalt  }
0x72: {  	_ =	shalt  }
0x73: {  	_ =	shalt  }
0x74: {  	_ =	shalt  }
0x75: {  	_ =	shalt  }
0x76: {  	_ =	shalt  }
0x77: {  	_ =	shalt  }
0x78: {  	_ =	shalt  }
0x79: {  	_ =	shalt  }
0x7a: {  	_ =	shalt  }
0x7b: {  	_ =	shalt  }
0x7c: {  	_ =	shalt  }
0x7d: {  	_ =	shalt  }
0x7e: {  	_ =	shalt  }
0x7f: {  	_ =	shalt  }
0x80: {  	_ =	shalt  }
0x81: {  	_ =	shalt  }
0x82: {  	_ =	shalt  }
0x83: {  	_ =	shalt  }
0x84: {  	_ =	shalt  }
0x85: {  	_ =	shalt  }
0x86: {  	_ =	shalt  }
0x87: {  	_ =	shalt  }
.Lfunc_end0:
.L_simem_size_0:
called_computation_lowered:
.L_overlay_start_0:
0x88: {  	s2 =	sld [smem:$0x3FD9]  }
0x89: {  	s3 =	sld [smem:$0x3FFE];
	_ =	sdelay $0x1  }
0x8a: {  	s1 =	srdreg.scid  }
0x8b: {  	s0 =	sand.u32 $0x1, s1  }
0x8c: {  	s17 =	sshll.u32 s0, $0xA;
	s2 =	sadd.s32 s3, s2  }
0x8d: {  	s2 =	sadd.s32 s2, s17  }
0x8e: {  	[smem:$0x3FC6] =	sst s2  }
0x8f: {  	_ = 	snop  }
0x90: {  	s2 =	sld [smem:$0x3FC9]  }
0x91: {  	s18 =	sld [smem:$0x3FC8]  }
0x92: {  	s4 =	sld [smem:$0x3FD0];
	(tm) =	ssettm $0x1  }
0x93: {  	s5 =	sld [smem:$0x3FFB];
	_ =	sdelay $0x3  }
0x94: {  	_ =	strace s5  }
0x95: {  	s5 =	sld [smem:$0x3FFC];
	_ =	sdelay $0x3  }
0x96: {  	_ =	strace s5  }
0x97: {  	s5 =	sld [smem:$0x3FFD];
	_ =	sdelay $0x3  }
0x98: {  	_ =	strace s5  }
0x99: {  	_ =	strace $0x8FFFFFFF  }
0x9a: {  	s19 =	sld [smem:$0x3FDB];
	_ =	sdelay $0x1  }
0x9b: {  	s6 =	simm.s32 $_scs_section_size  }
0x9c: {  	s7 =	simm.s32 $_size__tile_overlayer_lowered;
	s8 =	simm.s32 $_tile_overlayer_lowered  }
0x9d: {  	s22 =	simm.s32 $0x1BFF;
	s21 =	sshll.u32 s8, $0x1;
	s5 =	sadd.s32 s6, s19  }
0x9e: {  	s9 =	simm.s32 $0x0;
	s20 =	sshll.u32 s7, $0x1;
	s7 =	sadd.s32 s21, s5  }
0x9f: {  	[timem:s9], [sflag:s22] =	dma.local [hbm:s7], s20  }
0xa0: {  	_ =	swait.ge [sflag:s22], s20  }
0xa1: {  	s6 =	ssub.s32 $0x0, s20;
	[sflag:s22] =	ssyncset.done $0x0  }
0xa2: {  	[sflag:s22] =	ssyncadd.s32 s6;
	_ =	sdelay $0x1  }
0xa3: {  	s23 =	simm.s32 $0x1B8B  }
0xa4: {  	_ =	swait.ge [sflag:s23], $0x1  }
0xa5: {  	[sflag:s23] =	ssyncset.done $0x0  }
0xa6: {  	s25 =	simm.s32 $0x1B8E;
	s24 =	sld [smem:$0x3FFE];
	[sflag:s23] =	ssyncadd.s32 $0xFFFFFFFF  }
0xa7: {  	s26 =	simm.s32 $execute0_lowered;
	[smem:$0x3FD2] =	sst s25  }
0xa8: {  	s7 =	sshll.u32 s26, $0x1;
	_ =	strace $0x80000046;
	[dreg:$0x1] =	wrdreg $0xFFFFFFFF  }
0xa9: {  	s28 =	simm.s32 $_size_execute0_lowered;
	s5 =	sadd.s32 s5, s7;
	[dreg:$0x0] =	wrdreg $0x0  }
0xaa: {  	s7 =	sshll.u32 s28, $0x1;
	[dreg:$0x2] =	wrdreg s5  }
0xab: {  	[dreg:$0x3] =	wrdreg s7  }
0xac: {  	[dreg:$0x4] =	wrdreg $0xC0  }
0xad: {  	_ =	task [dreg:s9], $0x5FFFF  }
0xae: {  	[dreg:$0x1] =	wrdreg $0xFFFFFFFF  }
0xaf: {  	[dreg:$0x0] =	wrdreg $0x60  }
0xb0: {  	[dreg:$0x2] =	wrdreg s2  }
0xb1: {  	[dreg:$0x3] =	wrdreg s18  }
0xb2: {  	[dreg:$0x4] =	wrdreg s24  }
0xb3: {  	[dreg:$0x5] =	wrdreg s4  }
0xb4: {  	[dreg:$0x6] =	wrdreg $0x9  }
0xb5: {  	_ =	task.clear_ibuf [dreg:s9], $0x7FFFF;
	_ =	strace $0x90000046  }
0xb6: {  	s29 =	simm.s32 $0x9;
	_ =	strace $0x80000048  }
0xb7: {  	_ =	swait.ge [sflag:s29], $0x1  }
0xb8: {  	[sflag:s29] =	ssyncadd.s32 $0xFFFFFFFF  }
0xb9: {  	_ =	strace $0x90000048  }
0xba: {  	_ =	sfence  }
0xbb: {  	s30 =	sld [smem:$0x0];
	_ =	sdelay $0x2  }
0xbc: {  	s31 =	sshll.u32 s1, $0xD;
	s1 =	sshrl.u32 s1, $0x2  }
0xbd: {  	s3 =	sand.u32 $0x4000, s31;
	s1 =	sadd.s32 s1, s30  }
0xbe: {  	s0 =	sor.u32 s3, s0;
	s1 =	sshll.u32 s1, $0x11  }
0xbf: {  	s0 =	sor.u32 s1, s0  }
0xc0: {  	s0 =	sadd.s32 $0x8F2B, s0  }
0xc1: {  	[sflag:s0] =	ssyncadd.remote.s32 $0x1  }
0xc2: {  	_ =	sfence.sel $0xFFFF  }
0xc3: {  	[dreg:$0x0] =	wrdreg $0xFFFFFFFF;
	(pc) =	sbr.abs _section_cstart, $3  }
0xc4: {  	[dreg:$0x1] =	wrdreg $0xFFFFFFFF  }
0xc5: {  	_ =	task.clear_ibuf [dreg:s9], $0x2FFFF;
	_ =	strace $0x9FFFFFFF  }
0xc6: {  	(tm) =	ssettm $0x7FFFFFFF  }
0xc7: {  	_ =	shalt  }
tec
execute0_lowered:
.L_overlay_start_1:
0x0: {  	(tag) =	ssettag $0x1  }
0x1: {  	s0 =	rddreg [dreg:$0x0]  }
0x2: {  	s1 =	rddreg [dreg:$0x1]  }
0x3: {  	s4 =	rddreg [dreg:$0x2]  }
0x4: {  	s2 =	rddreg [dreg:$0x3];
	s5 =	srdreg.scid  }
0x5: {  	s3 =	simm.s32 $0x0;
	s8 =	stileid.u32;
	s5 =	sand.u32 $0x1, s5  }
0x6: {  	[smem:$0x7FF] =	sst s3;
	s6 =	sshll.u32 s8, $0xA;
	s8 =	sshll.u32 s8, $0x6  }
0x7: {  	s7 =	sshll.u32 s5, $0x9;
	_ =	strace $0x80000047;
	s8 =	smin.u32 s8, $0x3A8  }
0x8: {  	s5 =	ssub.s32 $0x2, s5;
	s6 =	sor.u32 s7, s6;
	s24 =	sshll.u32 s8, $0x6  }
0x9: {  	s23 =	sshrl.u32 s5, $0x1;
	s7 =	sshll.u32 s6, $0x6;
	s1 =	sadd.s32 s1, s24  }
0xa: {  	s6 =	sshrl.u32 s6, $0x3;
	s25 =	sadd.s32 s2, s24;
	[dreg:$0x5] =	wrdreg s1  }
0xb: {  	s5 =	ssub.s32 s5, s23;
	[dreg:$0x6] =	wrdreg s25;
	s0 =	sadd.s32 s0, s6  }
0xc: {  	s4 =	sadd.s32 s7, s4;
	s31 =	smax.u32 s5, $0x1;
	[dreg:$0x7] =	wrdreg s0  }
0xd: {  	s26 =	sadd.s32 $0x800, s4;
	[dreg:$0xc] =	wrdreg s31  }
0xe: {  	s28 =	sadd.s32 $0x2800, s4;
	[dreg:$0x8] =	wrdreg s26  }
0xf: {  	v2 =	vlaneseq.u32;
	s21 =	simm.s32 $0x8200;
	s29 =	sadd.s32 $0x4800, s4;
	[dreg:$0x9] =	wrdreg s28  }
0x10: {  	vm0 =	vmmov $0xffff;
	v1 =	vshrl.u32 v2, $0x3;
	s7 =	sadd.s32 $0x100, s2;
	s30 =	sadd.s32 $0x6800, s4;
	[dreg:$0xa] =	wrdreg s29  }
0x11: {  	v0 =	vand.u32 $0x7, v2;
	v2 =	vor.u32 $0x8, v2;
	v1 =	vmul.u32 $0x8, v1;
	s1 =	simm.s32 $0x2;
	s0 =	simm.s32 $0x0;
	[dreg:$0xb] =	wrdreg s30  }
.LBB2_1:
0x12: {  	[dreg:$0xd] =	wrdreg s0  }
0x13: {  	s23 =	rddreg [dreg:$0x5]  }
0x14: {  	[tilespmem:s3], [sflag:$0x2] =	stream.linear.gather [hbm4b:s23+s3], $0x8000, $0x38;
	[tilespmem:$0x18200] =	vst v63  }
0x15: {  	_ =	swait.ge [sflag:s1], $0x8000  }
0x16: {  	s31 =	sand.u32 $0x7000, s3;
	s24 =	sand.u32 $0x380, s3;
	[sflag:s1] =	ssyncset.done $0x0  }
0x17: {  	s23 =	sor.u32 s24, s31;
	[sflag:s1] =	ssyncadd.s32 $0xFFFF8000  }
0x18: {  	v3 =	vld [tilespmem:s23+$0x30]  }
0x19: {  	v4 =	vld [tilespmem:s23+$0x70];
	_ =	sdelay $0x2  }
0x1a: {  	v5 =	vld [tilespmem:s23+$0x430]  }
0x1b: {  	v6 =	vld [tilespmem:s23+$0x470];
	v3 =	vsub.f32 $0.0e+00, v3  }
0x1c: {  	v7 =	vld [tilespmem:s23+$0x830];
	v4 =	vsub.f32 $0.0e+00, v4  }
0x1d: {  	v8 =	vld [tilespmem:s23+$0x870];
	v3 =	vmul.f32 $1.442695020e+00, v3  }
0x1e: {  	v9 =	vld [tilespmem:s23+$0xC30];
	v4 =	vmul.f32 $1.442695020e+00, v4  }
0x1f: {  	(erf) = vpow2.f32 v3  }
0x20: {  	v5 =	vsub.f32 $0.0e+00, v5;
	(erf) = vpow2.f32 v4  }
0x21: {  	v3 =	vsub.f32 $0.0e+00, v6  }
0x22: {  	v6 =	vsub.f32 $0.0e+00, v8;
	v4 =	vmul.f32 $1.442695020e+00, v5  }
0x23: {  	v5 =	vsub.f32 $0.0e+00, v7;
	v7 =	vsub.f32 $0.0e+00, v9;
	v3 =	vmul.f32 $1.442695020e+00, v3  }
0x24: {  	v6 =	vmul.f32 $1.442695020e+00, v6;
	(erf) = vpow2.f32 v4;
	v4 =	vld [tilespmem:s23+$0x20]  }
0x25: {  	v5 =	vmul.f32 $1.442695020e+00, v5;
	v7 =	vmul.f32 $1.442695020e+00, v7  }
0x26: {  	(erf) = vpow2.f32 v3  }
0x27: {  	(erf) = vpow2.f32 v5  }
0x28: {  	v3 =	vld [tilespmem:s23+$0x60];
	(erf) = vpow2.f32 v6;
	v6 =	vpop (erf)  }
0x29: {  	v5 =	vld [tilespmem:s23+$0x420];
	(erf) = vpow2.f32 v7;
	v4 =	vsub.f32 $0.0e+00, v4;
	v7 =	vpop (erf)  }
0x2a: {  	v7 =	vadd.f32 $1.000000000e+00, v7  }
0x2b: {  	v6 =	vadd.f32 $1.000000000e+00, v6;
	v4 =	vmul.f32 $1.442695020e+00, v4;
	_ =	sdelay $0x1  }
0x2c: {  	v3 =	vsub.f32 $0.0e+00, v3;
	(erf) = vrcp.f32 v6  }
0x2d: {  	v5 =	vsub.f32 $0.0e+00, v5;
	(erf) = vrcp.f32 v7;
	v7 =	vpop (erf)  }
0x2e: {  	v8 =	vld [tilespmem:s23+$0x820];
	v3 =	vmul.f32 $1.442695020e+00, v3;
	(erf) = vpow2.f32 v4;
	v7 =	vadd.f32 $1.000000000e+00, v7;
	v4 =	vpop (erf)  }
0x2f: {  	v6 =	vld [tilespmem:s23+$0x460];
	v4 =	vadd.f32 $1.000000000e+00, v4  }
0x30: {  	(erf) = vpow2.f32 v3;
	v3 =	vmul.f32 $1.442695020e+00, v5;
	v5 =	vld [tilespmem:s23+$0x860]  }
0x31: {  	v9 =	vld [tilespmem:s23+$0xC70]  }
0x32: {  	(erf) = vrcp.f32 v7;
	v7 =	vpop (erf)  }
0x33: {  	v8 =	vsub.f32 $0.0e+00, v8;
	(erf) = vrcp.f32 v4;
	v7 =	vadd.f32 $1.000000000e+00, v7;
	v4 =	vpop (erf)  }
0x34: {  	v10 =	vld [tilespmem:s23+$0x0];
	v6 =	vsub.f32 $0.0e+00, v6;
	(erf) = vpow2.f32 v3;
	v4 =	vadd.f32 $1.000000000e+00, v4;
	v3 =	vpop (erf)  }
0x35: {  	v5 =	vsub.f32 $0.0e+00, v5;
	v11 =	vadd.f32 $1.000000000e+00, v3;
	(erf) = vrcp.f32 v7;
	v7 =	vld [tilespmem:s23+$0x10]  }
0x36: {  	v9 =	vsub.f32 $0.0e+00, v9;
	v6 =	vmul.f32 $1.442695020e+00, v6;
	(erf) = vrcp.f32 v4  }
0x37: {  	v8 =	vmul.f32 $1.442695020e+00, v8;
	v3 =	vpop (erf);
	(erf) = vrcp.f32 v11;
	v11 =	vld [tilespmem:s23+$0x40]  }
0x38: {  	v12 =	vld [tilespmem:s23+$0x50];
	v9 =	vmul.f32 $1.442695020e+00, v9;
	v4 =	vpop (erf);
	(erf) = vpow2.f32 v6  }
0x39: {  	v6 =	vmul.f32 $1.442695020e+00, v5;
	v5 =	vpop (erf);
	(erf) = vpow2.f32 v8;
	v8 =	vsub.f32 $0.0e+00, v10  }
0x3a: {  	v10 =	vadd.f32 $1.000000000e+00, v5;
	v5 =	vpop (erf);
	(erf) = vpow2.f32 v9;
	v7 =	vsub.f32 $0.0e+00, v7  }
0x3b: {  	v13 =	vld [tilespmem:s23+$0x400];
	v9 =	vadd.f32 $1.000000000e+00, v5;
	v5 =	vpop (erf);
	(erf) = vpow2.f32 v6  }
0x3c: {  	v8 =	vmul.f32 $1.442695020e+00, v8;
	(erf) = vrcp.f32 v10;
	v11 =	vsub.f32 $0.0e+00, v11  }
0x3d: {  	v14 =	vld [tilespmem:s23+$0x410];
	v6 =	vpop (erf);
	v10 =	vmul.f32 $1.442695020e+00, v7;
	(erf) = vrcp.f32 v9;
	v9 =	vsub.f32 $0.0e+00, v12  }
0x3e: {  	v7 =	vpop (erf);
	(erf) = vpow2.f32 v8;
	v11 =	vmul.f32 $1.442695020e+00, v11  }
0x3f: {  	v12 =	vadd.f32 $1.000000000e+00, v7;
	v7 =	vpop (erf);
	(erf) = vpow2.f32 v10;
	v10 =	vmul.f32 $1.442695020e+00, v9  }
0x40: {  	v16 =	vld [tilespmem:s23+$0xC20];
	v13 =	vsub.f32 $0.0e+00, v13;
	v8 =	vpop (erf)  }
0x41: {  	v17 =	vld [tilespmem:s23+$0x440];
	(erf) = vrcp.f32 v12;
	v9 =	vpop (erf)  }
0x42: {  	v12 =	vmul.f32 $1.442695020e+00, v13;
	v13 =	vsub.f32 $0.0e+00, v14;
	(erf) = vpow2.f32 v11;
	v11 =	vpop (erf)  }
0x43: {  	v11 =	vadd.f32 $1.000000000e+00, v11;
	(erf) = vpow2.f32 v10;
	v10 =	vpop (erf)  }
0x44: {  	(erf) = vpow2.f32 v12;
	v15 =	vpop (erf);
	v12 =	vmul.f32 $1.442695020e+00, v13  }
0x45: {  	v18 =	vadd.f32 $1.000000000e+00, v10;
	v13 =	vsub.f32 $0.0e+00, v16;
	v10 =	vpop (erf)  }
0x46: {  	v14 =	vld [tilespmem:s23+$0x450];
	v16 =	vsub.f32 $0.0e+00, v17;
	(erf) = vrcp.f32 v11;
	v17 =	vadd.f32 $1.000000000e+00, v10;
	v10 =	vpop (erf)  }
0x47: {  	(erf) = vrcp.f32 v18;
	v11 =	vpop (erf)  }
0x48: {  	v13 =	vmul.f32 $1.442695020e+00, v13;
	(erf) = vpow2.f32 v12;
	v12 =	vpop (erf)  }
0x49: {  	v16 =	vmul.f32 $1.442695020e+00, v16;
	v18 =	vld [tilespmem:s23+$0x800];
	(erf) = vrcp.f32 v17;
	v17 =	vadd.f32 $1.000000000e+00, v12;
	v12 =	vpop (erf)  }
0x4a: {  	(erf) = vpow2.f32 v13;
	v13 =	vadd.f32 $1.000000000e+00, v12  }
0x4b: {  	v19 =	vld [tilespmem:s23+$0x810];
	v14 =	vsub.f32 $0.0e+00, v14  }
0x4c: {  	v12 =	vpop (erf);
	(erf) = vpow2.f32 v16  }
0x4d: {  	v21 =	vld [tilespmem:s23+$0x840];
	v14 =	vmul.f32 $1.442695020e+00, v14;
	(erf) = vrcp.f32 v17;
	v16 =	vpop (erf)  }
0x4e: {  	v22 =	vsub.f32 $0.0e+00, v18;
	v17 =	vadd.f32 $1.000000000e+00, v16;
	(erf) = vrcp.f32 v13;
	v16 =	vld [tilespmem:s23+$0x850];
	v13 =	vpop (erf)  }
0x4f: {  	(erf) = vpow2.f32 v14;
	v20 =	vadd.f32 $1.000000000e+00, v13;
	v13 =	vpop (erf)  }
0x50: {  	v24 =	vsub.f32 $0.0e+00, v19;
	v18 =	vld [tilespmem:s23+$0xC00];
	(erf) = vrcp.f32 v17;
	v23 =	vadd.f32 $1.000000000e+00, v13;
	v13 =	vpop (erf)  }
0x51: {  	v19 =	vmul.f32 $1.442695020e+00, v22;
	v17 =	vld [tilespmem:s23+$0xC10];
	(erf) = vrcp.f32 v20;
	v14 =	vpop (erf)  }
0x52: {  	s25 =	simm.s32 $0x0;
	s24 =	simm.s32 $0x200;
	v21 =	vsub.f32 $0.0e+00, v21;
	v20 =	vmul.f32 $1.442695020e+00, v24;
	(erf) = vrcp.f32 v23;
	v22 =	vpop (erf)  }
.LBB2_2:
0x53: {  	p0 =	sne.s32 s24, $0x7E00;
	v26 =	vadd.f32 $1.000000000e+00, v22;
	v23 =	vsub.f32 $0.0e+00, v16;
	v24 =	vld [tilespmem:s23+$0xC40];
	(erf) = vpow2.f32 v19;
	v16 =	vpop (erf)  }
0x54: {  	v19 =	vmul.f32 $1.442695020e+00, v21;
	v21 =	vld [tilespmem:s23+$0xC50];
	(erf) = vpow2.f32 v20;
	v25 =	vpop (erf)  }
0x55: {  	v20 =	vmul.f32 $1.442695020e+00, v23;
	v28 =	vsub.f32 $0.0e+00, v18;
	v23 =	vld [tilespmem:s23+$0xC60];
	(erf) = vrcp.f32 v26;
	v22 =	vpop (erf)  }
0x56: {  	v22 =	vadd.f32 $1.000000000e+00, v22;
	v26 =	vsub.f32 $0.0e+00, v17;
	v17 =	vpop (erf);
	(erf) = vpow2.f32 v19  }
0x57: {  	v27 =	vmul.f32 $1.442695020e+00, v28;
	v18 =	vpop (erf);
	(erf) = vpow2.f32 v20  }
0x58: {  	v26 =	vmul.f32 $1.442695020e+00, v26;
	v28 =	vsub.f32 $0.0e+00, v24;
	(erf) = vrcp.f32 v22;
	v19 =	vpop (erf)  }
0x59: {  	v22 =	vadd.f32 $1.000000000e+00, v19;
	v29 =	vsub.f32 $0.0e+00, v21;
	v19 =	vpop (erf);
	(erf) = vpow2.f32 v27  }
0x5a: {  	v24 =	vmul.f32 $1.442695020e+00, v28;
	v23 =	vsub.f32 $0.0e+00, v23;
	v20 =	vpop (erf);
	(erf) = vpow2.f32 v26  }
0x5b: {  	v26 =	vmul.f32 $1.442695020e+00, v29;
	v21 =	vpop (erf);
	(erf) = vrcp.f32 v22  }
0x5c: {  	v28 =	vadd.f32 v18, v17;
	v23 =	vmul.f32 $1.442695020e+00, v23;
	v27 =	vpop (erf);
	(erf) = vpow2.f32 v24  }
0x5d: {  	v29 =	vadd.f32 $1.000000000e+00, v27;
	v27 =	vpop (erf);
	(erf) = vpow2.f32 v26  }
0x5e: {  	v26 =	vadd.f32 v10, v28;
	v28 =	vadd.f32 $1.000000000e+00, v27;
	v22 =	vpop (erf);
	(erf) = vpow2.f32 v23  }
0x5f: {  	v25 =	vadd.f32 $1.000000000e+00, v25;
	v30 =	vadd.f32 v20, v19;
	(erf) = vrcp.f32 v29;
	v24 =	vpop (erf)  }
0x60: {  	v26 =	vadd.f32 v3, v26;
	v29 =	vadd.f32 $1.000000000e+00, v24;
	(erf) = vrcp.f32 v28;
	v27 =	vpop (erf)  }
0x61: {  	v28 =	vadd.f32 v11, v30;
	v27 =	vadd.f32 $1.000000000e+00, v27;
	v23 =	vpop (erf);
	(erf) = vrcp.f32 v25  }
0x62: {  	(erf) = vrcp.f32 v29;
	v24 =	vpop (erf)  }
0x63: {  	v30 =	vadd.f32 v4, v28;
	v29 =	vadd.f32 $1.000000000e+00, v24;
	(xrf2) =	vadd.scan.msk.f32 $0xffff, v26;
	(erf) = vrcp.f32 v27;
	v24 =	vpop (erf)  }
0x64: {  	v26 =	vadd.f32 v22, v21;
	v27 =	vadd.f32 $1.000000000e+00, v24;
	v24 =	vpop (erf)  }
0x65: {  	(erf) = vrcp.f32 v29;
	v28 =	vpop (erf)  }
0x66: {  	v26 =	vadd.f32 v12, v26;
	v31 =	vadd.f32 $1.000000000e+00, v28;
	(xrf2) =	vadd.scan.msk.f32 $0xffff, v30;
	(erf) = vrcp.f32 v27;
	v25 =	vpop (erf)  }
0x67: {  	v27 =	vadd.f32 v24, v23;
	v32 =	vadd.f32 $1.000000000e+00, v25;
	v29 =	vpop (erf)  }
0x68: {  	v26 =	vadd.f32 v5, v26;
	v29 =	vadd.f32 $1.000000000e+00, v29;
	v30 =	vpop (erf);
	(erf) = vrcp.f32 v31  }
0x69: {  	v33 =	vadd.f32 v13, v27;
	v28 =	vpop (erf);
	(erf) = vrcp.f32 v32  }
0x6a: {  	v32 =	vadd.f32 v28, v30;
	(xrf2) =	vadd.scan.msk.f32 $0xffff, v26;
	v25 =	vpop (erf);
	(erf) = vrcp.f32 v29  }
0x6b: {  	v15 =	vadd.f32 $1.000000000e+00, v15;
	v34 =	vadd.f32 v6, v33;
	v27 =	vpop (erf)  }
0x6c: {  	v29 =	vadd.f32 v14, v32;
	v31 =	vpop (erf)  }
0x6d: {  	v37 =	vadd.f32 v31, v27;
	v33, _, _ =	vpop (xrf2);
	(xrf2) =	vadd.scan.msk.f32 $0xffff, v34;
	(erf) = vrcp.f32 v15  }
0x6e: {  	v15 =	vadd.f32 v7, v29;
	v26 =	vpop (erf)  }
0x6f: {  	v37 =	vadd.f32 v16, v37;
	v32 =	vpop (erf)  }
0x70: {  	v34 =	vadd.f32 v32, v26;
	v35, _, _ =	vpop (xrf2);
	(xrf2) =	vadd.scan.msk.f32 $0xffff, v15  }
0x71: {  	v40 =	vadd.f32 v8, v37;
	v29 =	vpop (erf)  }
0x72: {  	v34 =	vadd.f32 v25, v34;
	v36 =	vpop (erf)  }
0x73: {  	v37 =	vadd.f32 v36, v29;
	(xrf2) =	vadd.scan.msk.f32 $0xffff, v40;
	v15 =	vpop (erf)  }
0x74: {  	v41 =	vadd.f32 v9, v34;
	v38, _, _ =	vpop (xrf2)  }
0x75: {  	v37 =	vadd.f32 v15, v37  }
0x76: {  	(xrf2) =	vadd.scan.msk.f32 $0xffff, v41;
	v34 =	vpop (erf)  }
0x77: {  	v40 =	vadd.f32 v34, v37;
	v39, _, _ =	vpop (xrf2);
	_ =	sdelay $0x1  }
0x78: {  	(xrf2) =	vadd.scan.msk.f32 $0xffff, v40  }
0x79: {  	v37, _, _ =	vpop (xrf2);
	_ =	sdelay $0x2  }
0x7a: {  	v33 =	vadd.f32 $9.999999710e-10, v33;
	v40, _, _ =	vpop (xrf2)  }
0x7b: {  	v35 =	vadd.f32 $9.999999710e-10, v35  }
0x7c: {  	v33 =	vbroadcast v33, $0xF;
	v38 =	vadd.f32 $9.999999710e-10, v38  }
0x7d: {  	v35 =	vbroadcast v35, $0xF;
	v39 =	vadd.f32 $9.999999710e-10, v39;
	v41, _, _ =	vpop (xrf2)  }
0x7e: {  	v42 =	vbroadcast v38, $0xF;
	v37 =	vadd.f32 $9.999999710e-10, v37;
	(erf) = vrcp.f32 v33  }
0x7f: {  	v33 =	vbroadcast v39, $0xF;
	v39 =	vadd.f32 $9.999999710e-10, v40;
	(erf) = vrcp.f32 v35  }
0x80: {  	v35 =	vbroadcast v37, $0xF;
	v37 =	vadd.f32 $9.999999710e-10, v41;
	(erf) = vrcp.f32 v42;
	v38, _, _ =	vpop (xrf2)  }
0x81: {  	v39 =	vbroadcast v39, $0xF;
	v38 =	vadd.f32 $9.999999710e-10, v38;
	(erf) = vrcp.f32 v33  }
0x82: {  	v33 =	vbroadcast v37, $0xF;
	(erf) = vrcp.f32 v35  }
0x83: {  	v35 =	vbroadcast v38, $0xF;
	(erf) = vrcp.f32 v39  }
0x84: {  	(erf) = vrcp.f32 v33  }
0x85: {  	(erf) = vrcp.f32 v35;
	_ =	sdelay $0x1  }
0x86: {  	v33 =	vpop (erf)  }
0x87: {  	v17 =	vmul.f32 v33, v17;
	v18 =	vmul.f32 v33, v18;
	v35 =	vpop (erf)  }
0x88: {  	v19 =	vmul.f32 v35, v19;
	v20 =	vmul.f32 v35, v20;
	v37 =	vpop (erf)  }
0x89: {  	[tilespmem:s23+$0x10] =	vst v18;
	v18 =	vmul.f32 v37, v21;
	v21 =	vmul.f32 v37, v22;
	v22 =	vpop (erf)  }
0x8a: {  	[tilespmem:s23+$0x50] =	vst v20;
	v20 =	vmul.f32 v22, v23;
	v23 =	vmul.f32 v22, v24;
	v24 =	vpop (erf)  }
0x8b: {  	[tilespmem:s23+$0x410] =	vst v21;
	v21 =	vmul.f32 v24, v30;
	v28 =	vmul.f32 v24, v28;
	v30 =	vpop (erf)  }
0x8c: {  	[tilespmem:s23+$0x450] =	vst v23;
	v23 =	vmul.f32 v30, v27;
	v27 =	vmul.f32 v30, v31;
	v31 =	vpop (erf)  }
0x8d: {  	[tilespmem:s23+$0x810] =	vst v28;
	v26 =	vmul.f32 v31, v26;
	v28 =	vmul.f32 v31, v32;
	v32 =	vpop (erf)  }
0x8e: {  	[tilespmem:s23+$0x850] =	vst v27;
	v27 =	vmul.f32 v32, v29;
	v29 =	vmul.f32 v32, v36  }
0x8f: {  	v25 =	vmul.f32 v31, v25;
	v15 =	vmul.f32 v32, v15;
	[tilespmem:s23+$0xC10] =	vst v28  }
0x90: {  	v14 =	vmul.f32 v24, v14;
	v16 =	vmul.f32 v30, v16;
	[tilespmem:s23+$0xC50] =	vst v29  }
0x91: {  	v12 =	vmul.f32 v37, v12;
	v13 =	vmul.f32 v22, v13;
	[tilespmem:s23+$0xC40] =	vst v27  }
0x92: {  	v10 =	vmul.f32 v33, v10;
	v11 =	vmul.f32 v35, v11;
	[tilespmem:s23+$0xC00] =	vst v26  }
0x93: {  	v9 =	vmul.f32 v31, v9;
	[tilespmem:s23+$0x840] =	vst v23;
	v23 =	vmul.f32 v32, v34  }
0x94: {  	v7 =	vmul.f32 v24, v7;
	v8 =	vmul.f32 v30, v8;
	[tilespmem:s23+$0x800] =	vst v21  }
0x95: {  	v5 =	vmul.f32 v37, v5;
	v6 =	vmul.f32 v22, v6;
	[tilespmem:s23+$0x440] =	vst v20  }
0x96: {  	v3 =	vmul.f32 v33, v3;
	v4 =	vmul.f32 v35, v4;
	[tilespmem:s23+$0x400] =	vst v18  }
0x97: {  	[tilespmem:s23+$0x40] =	vst v19  }
0x98: {  	[tilespmem:s23+$0x0] =	vst v17  }
0x99: {  	[tilespmem:s23+$0xC60] =	vst v15  }
0x9a: {  	[tilespmem:s23+$0xC20] =	vst v25  }
0x9b: {  	[tilespmem:s23+$0x860] =	vst v16  }
0x9c: {  	[tilespmem:s23+$0x820] =	vst v14  }
0x9d: {  	[tilespmem:s23+$0x460] =	vst v13  }
0x9e: {  	[tilespmem:s23+$0x420] =	vst v12  }
0x9f: {  	[tilespmem:s23+$0x60] =	vst v11  }
0xa0: {  	[tilespmem:s23+$0x20] =	vst v10  }
0xa1: {  	[tilespmem:s23+$0xC70] =	vst v23  }
0xa2: {  	[tilespmem:s23+$0xC30] =	vst v9  }
0xa3: {  	[tilespmem:s23+$0x870] =	vst v8  }
0xa4: {  	[tilespmem:s23+$0x830] =	vst v7  }
0xa5: {  	[tilespmem:s23+$0x470] =	vst v6  }
0xa6: {  	s25 =	sadd.s32 $0x80, s25;
	[tilespmem:s23+$0x430] =	vst v5  }
0xa7: {  	s26 =	sand.u32 $0x7000, s24;
	s28 =	sand.u32 $0x380, s25;
	[tilespmem:s23+$0x70] =	vst v4  }
0xa8: {  	[tilespmem:s23+$0x30] =	vst v3;
	s23 =	sor.u32 s28, s26  }
0xa9: {  	v3 =	vld [tilespmem:s23+$0x30]  }
0xaa: {  	v4 =	vld [tilespmem:s23+$0x70];
	_ =	sdelay $0x2  }
0xab: {  	v5 =	vld [tilespmem:s23+$0x430]  }
0xac: {  	v3 =	vsub.f32 $0.0e+00, v3;
	v6 =	vld [tilespmem:s23+$0x470]  }
0xad: {  	v4 =	vsub.f32 $0.0e+00, v4  }
0xae: {  	v3 =	vmul.f32 $1.442695020e+00, v3;
	v7 =	vld [tilespmem:s23+$0x830]  }
0xaf: {  	v4 =	vmul.f32 $1.442695020e+00, v4;
	v8 =	vld [tilespmem:s23+$0x870]  }
0xb0: {  	v5 =	vsub.f32 $0.0e+00, v5;
	v9 =	vld [tilespmem:s23+$0xC30];
	(erf) = vpow2.f32 v3  }
0xb1: {  	v3 =	vsub.f32 $0.0e+00, v6;
	(erf) = vpow2.f32 v4  }
0xb2: {  	v4 =	vmul.f32 $1.442695020e+00, v5  }
0xb3: {  	v3 =	vmul.f32 $1.442695020e+00, v3;
	v5 =	vsub.f32 $0.0e+00, v7  }
0xb4: {  	v6 =	vsub.f32 $0.0e+00, v8;
	(erf) = vpow2.f32 v4  }
0xb5: {  	v4 =	vld [tilespmem:s23+$0x20];
	v5 =	vmul.f32 $1.442695020e+00, v5;
	v7 =	vsub.f32 $0.0e+00, v9;
	(erf) = vpow2.f32 v3  }
0xb6: {  	v3 =	vld [tilespmem:s23+$0x60];
	v8 =	vmul.f32 $1.442695020e+00, v6  }
0xb7: {  	v9 =	vmul.f32 $1.442695020e+00, v7;
	(erf) = vpow2.f32 v5  }
0xb8: {  	(erf) = vpow2.f32 v8  }
0xb9: {  	v5 =	vld [tilespmem:s23+$0x420];
	v6 =	vpop (erf);
	(erf) = vpow2.f32 v9  }
0xba: {  	v4 =	vsub.f32 $0.0e+00, v4;
	v6 =	vadd.f32 $1.000000000e+00, v6;
	v7 =	vpop (erf)  }
0xbb: {  	v3 =	vsub.f32 $0.0e+00, v3;
	v8 =	vadd.f32 $1.000000000e+00, v7  }
0xbc: {  	v9 =	vmul.f32 $1.442695020e+00, v4;
	(erf) = vrcp.f32 v6  }
0xbd: {  	v3 =	vmul.f32 $1.442695020e+00, v3;
	v6 =	vld [tilespmem:s23+$0x460];
	(erf) = vrcp.f32 v8;
	v7 =	vpop (erf)  }
0xbe: {  	v5 =	vsub.f32 $0.0e+00, v5;
	v10 =	vadd.f32 $1.000000000e+00, v7;
	v8 =	vld [tilespmem:s23+$0x820];
	(erf) = vpow2.f32 v9;
	v4 =	vpop (erf)  }
0xbf: {  	v11 =	vadd.f32 $1.000000000e+00, v4;
	v9 =	vld [tilespmem:s23+$0xC70];
	(erf) = vpow2.f32 v3  }
0xc0: {  	v12 =	vmul.f32 $1.442695020e+00, v5;
	v5 =	vld [tilespmem:s23+$0x860];
	(erf) = vrcp.f32 v10;
	v7 =	vpop (erf)  }
0xc1: {  	v7 =	vadd.f32 $1.000000000e+00, v7;
	(erf) = vrcp.f32 v11;
	v4 =	vpop (erf)  }
0xc2: {  	v6 =	vsub.f32 $0.0e+00, v6;
	v4 =	vadd.f32 $1.000000000e+00, v4;
	(erf) = vpow2.f32 v12;
	v3 =	vpop (erf)  }
0xc3: {  	v10 =	vld [tilespmem:s23+$0x0];
	v8 =	vsub.f32 $0.0e+00, v8;
	v11 =	vadd.f32 $1.000000000e+00, v3;
	(erf) = vrcp.f32 v7  }
0xc4: {  	v7 =	vld [tilespmem:s23+$0x10];
	v6 =	vmul.f32 $1.442695020e+00, v6;
	v9 =	vsub.f32 $0.0e+00, v9;
	(erf) = vrcp.f32 v4  }
0xc5: {  	v8 =	vmul.f32 $1.442695020e+00, v8;
	v13 =	vsub.f32 $0.0e+00, v5;
	v3 =	vpop (erf);
	(erf) = vrcp.f32 v11  }
0xc6: {  	v11 =	vld [tilespmem:s23+$0x40];
	v9 =	vmul.f32 $1.442695020e+00, v9;
	v4 =	vpop (erf);
	(erf) = vpow2.f32 v6  }
0xc7: {  	v12 =	vld [tilespmem:s23+$0x50];
	v14 =	vmul.f32 $1.442695020e+00, v13;
	v5 =	vpop (erf);
	(erf) = vpow2.f32 v8  }
0xc8: {  	v8 =	vsub.f32 $0.0e+00, v10;
	v10 =	vadd.f32 $1.000000000e+00, v5;
	v13 =	vld [tilespmem:s23+$0x400];
	v5 =	vpop (erf);
	(erf) = vpow2.f32 v9  }
0xc9: {  	v15 =	vsub.f32 $0.0e+00, v7;
	v9 =	vadd.f32 $1.000000000e+00, v5;
	v5 =	vpop (erf);
	(erf) = vpow2.f32 v14  }
0xca: {  	v17 =	vmul.f32 $1.442695020e+00, v8;
	(erf) = vrcp.f32 v10;
	v6 =	vpop (erf)  }
0xcb: {  	v10 =	vmul.f32 $1.442695020e+00, v15;
	v11 =	vsub.f32 $0.0e+00, v11;
	v14 =	vld [tilespmem:s23+$0x410];
	(erf) = vrcp.f32 v9;
	v7 =	vpop (erf)  }
0xcc: {  	v15 =	vsub.f32 $0.0e+00, v12;
	v12 =	vadd.f32 $1.000000000e+00, v7;
	(erf) = vpow2.f32 v17;
	v7 =	vpop (erf)  }
0xcd: {  	v18 =	vmul.f32 $1.442695020e+00, v11;
	v13 =	vsub.f32 $0.0e+00, v13;
	v16 =	vld [tilespmem:s23+$0xC20];
	(erf) = vpow2.f32 v10;
	v8 =	vpop (erf)  }
0xce: {  	v19 =	vmul.f32 $1.442695020e+00, v15;
	v17 =	vld [tilespmem:s23+$0x440];
	(erf) = vrcp.f32 v12;
	v9 =	vpop (erf)  }
0xcf: {  	v12 =	vmul.f32 $1.442695020e+00, v13;
	(erf) = vpow2.f32 v18;
	v11 =	vpop (erf)  }
0xd0: {  	v13 =	vsub.f32 $0.0e+00, v14;
	v11 =	vadd.f32 $1.000000000e+00, v11;
	(erf) = vpow2.f32 v19;
	v10 =	vpop (erf)  }
0xd1: {  	v14 =	vld [tilespmem:s23+$0x450];
	v18 =	vadd.f32 $1.000000000e+00, v10;
	(erf) = vpow2.f32 v12;
	v15 =	vpop (erf)  }
0xd2: {  	v19 =	vmul.f32 $1.442695020e+00, v13;
	v13 =	vsub.f32 $0.0e+00, v16;
	(erf) = vrcp.f32 v11;
	v10 =	vpop (erf)  }
0xd3: {  	v16 =	vsub.f32 $0.0e+00, v17;
	v17 =	vadd.f32 $1.000000000e+00, v10;
	v10 =	vpop (erf);
	(erf) = vrcp.f32 v18  }
0xd4: {  	v13 =	vmul.f32 $1.442695020e+00, v13;
	v11 =	vpop (erf);
	(erf) = vpow2.f32 v19  }
0xd5: {  	v20 =	vmul.f32 $1.442695020e+00, v16;
	v18 =	vld [tilespmem:s23+$0x800];
	v12 =	vpop (erf);
	(erf) = vrcp.f32 v17  }
0xd6: {  	v17 =	vadd.f32 $1.000000000e+00, v12;
	v14 =	vsub.f32 $0.0e+00, v14;
	v19 =	vld [tilespmem:s23+$0x810];
	v12 =	vpop (erf);
	(erf) = vpow2.f32 v13  }
0xd7: {  	v22 =	vadd.f32 $1.000000000e+00, v12;
	v12 =	vpop (erf);
	(erf) = vpow2.f32 v20  }
0xd8: {  	v14 =	vmul.f32 $1.442695020e+00, v14;
	v21 =	vld [tilespmem:s23+$0x840];
	(erf) = vrcp.f32 v17;
	v16 =	vpop (erf)  }
.Ltmp0:
0xd9: {  	v17 =	vadd.f32 $1.000000000e+00, v16;
	v16 =	vld [tilespmem:s23+$0x850];
	(erf) = vrcp.f32 v22;
	v13 =	vpop (erf);
	(pc) =	sbr.rel @p0 .LBB2_2-.Ltmp0, $4  }
0xda: {  	v20 =	vadd.f32 $1.000000000e+00, v13;
	v25 =	vsub.f32 $0.0e+00, v18;
	v13 =	vpop (erf);
	(erf) = vpow2.f32 v14  }
0xdb: {  	v23 =	vadd.f32 $1.000000000e+00, v13;
	v24 =	vsub.f32 $0.0e+00, v19;
	v18 =	vld [tilespmem:s23+$0xC00];
	(erf) = vrcp.f32 v17;
	v13 =	vpop (erf)  }
0xdc: {  	v19 =	vmul.f32 $1.442695020e+00, v25;
	v17 =	vld [tilespmem:s23+$0xC10];
	(erf) = vrcp.f32 v20;
	v14 =	vpop (erf)  }
0xdd: {  	s24 =	sadd.s32 $0x200, s24;
	v20 =	vmul.f32 $1.442695020e+00, v24;
	v21 =	vsub.f32 $0.0e+00, v21;
	(erf) = vrcp.f32 v23;
	v22 =	vpop (erf)  }
0xde: {  	v22 =	vadd.f32 $1.000000000e+00, v22;
	v23 =	vsub.f32 $0.0e+00, v16;
	v24 =	vld [tilespmem:s23+$0xC40];
	(erf) = vpow2.f32 v19;
	v16 =	vpop (erf)  }
0xdf: {  	v57 =	vld [tilespmem:s23+$0xC50];
	v56 =	vmul.f32 $1.442695020e+00, v21;
	(erf) = vpow2.f32 v20;
	v25 =	vpop (erf)  }
0xe0: {  	v59 =	vld [tilespmem:s23+$0xC60];
	v23 =	vmul.f32 $1.442695020e+00, v23;
	v18 =	vsub.f32 $0.0e+00, v18;
	(erf) = vrcp.f32 v22;
	v58 =	vpop (erf)  }
0xe1: {  	v26 =	vadd.f32 $1.000000000e+00, v58;
	v27 =	vsub.f32 $0.0e+00, v17;
	v17 =	vpop (erf);
	(erf) = vpow2.f32 v56  }
0xe2: {  	v60 =	vmul.f32 $1.442695020e+00, v18;
	v20 =	vpop (erf);
	(erf) = vpow2.f32 v23  }
0xe3: {  	v61 =	vmul.f32 $1.442695020e+00, v27;
	v24 =	vsub.f32 $0.0e+00, v24;
	(erf) = vrcp.f32 v26;
	v62 =	vpop (erf)  }
0xe4: {  	v21 =	vsub.f32 $0.0e+00, v57;
	v63 =	vadd.f32 $1.000000000e+00, v62;
	v18 =	vpop (erf);
	(erf) = vpow2.f32 v60  }
0xe5: {  	v22 =	vsub.f32 $0.0e+00, v59;
	v24 =	vmul.f32 $1.442695020e+00, v24;
	v27 =	vpop (erf);
	(erf) = vpow2.f32 v61  }
0xe6: {  	v21 =	vmul.f32 $1.442695020e+00, v21;
	v19 =	vpop (erf);
	(erf) = vrcp.f32 v63  }
0xe7: {  	v22 =	vmul.f32 $1.442695020e+00, v22;
	v29 =	vpop (erf);
	(erf) = vpow2.f32 v24  }
0xe8: {  	v30 =	vpop (erf);
	(erf) = vpow2.f32 v21;
	v31 =	vadd.f32 $1.000000000e+00, v29  }
0xe9: {  	v26 =	vpop (erf);
	(erf) = vpow2.f32 v22;
	v33 =	vadd.f32 $1.000000000e+00, v30  }
0xea: {  	v25 =	vadd.f32 $1.000000000e+00, v25;
	v45 =	vadd.f32 v20, v17;
	v32 =	vpop (erf);
	(erf) = vrcp.f32 v31  }
0xeb: {  	v28 =	vadd.f32 v27, v18;
	v34 =	vpop (erf);
	v22 =	vadd.f32 $1.000000000e+00, v32;
	(erf) = vrcp.f32 v33  }
0xec: {  	v46 =	vadd.f32 v10, v45;
	v21 =	vpop (erf);
	v24 =	vadd.f32 $1.000000000e+00, v34;
	(erf) = vrcp.f32 v25  }
0xed: {  	v28 =	vadd.f32 v11, v28;
	v47 =	vadd.f32 v26, v19;
	v35 =	vpop (erf);
	(erf) = vrcp.f32 v22  }
0xee: {  	v48 =	vadd.f32 v3, v46;
	v36 =	vpop (erf);
	(erf) = vrcp.f32 v24  }
0xef: {  	v28 =	vadd.f32 v4, v28;
	v49 =	vadd.f32 v12, v47;
	v23 =	vpop (erf)  }
0xf0: {  	(xrf2) =	vadd.scan.msk.f32 $0xffff, v48;
	v39 =	vpop (erf)  }
0xf1: {  	(xrf2) =	vadd.scan.msk.f32 $0xffff, v28;
	v37 =	vadd.f32 $1.000000000e+00, v35;
	v22 =	vadd.f32 v5, v49;
	v41 =	vpop (erf)  }
0xf2: {  	v38 =	vadd.f32 $1.000000000e+00, v36;
	v31 =	vadd.f32 v23, v21;
	v43 =	vpop (erf)  }
0xf3: {  	(erf) = vrcp.f32 v37;
	v25 =	vpop (erf)  }
0xf4: {  	(xrf2) =	vadd.scan.msk.f32 $0xffff, v22;
	v40 =	vadd.f32 $1.000000000e+00, v39;
	(erf) = vrcp.f32 v38;
	v31 =	vadd.f32 v13, v31;
	v29 =	vpop (erf)  }
0xf5: {  	v42 =	vadd.f32 $1.000000000e+00, v41;
	v30 =	vpop (erf);
	v34 =	vadd.f32 v29, v25  }
0xf6: {  	(erf) = vrcp.f32 v40;
	v44 =	vadd.f32 $1.000000000e+00, v43;
	v31 =	vadd.f32 v6, v31;
	v32 =	vpop (erf)  }
0xf7: {  	v15 =	vadd.f32 $1.000000000e+00, v15;
	(erf) = vrcp.f32 v42;
	v24 =	vpop (erf);
	v50 =	vadd.f32 v14, v34  }
0xf8: {  	(erf) = vrcp.f32 v44;
	(xrf2) =	vadd.scan.msk.f32 $0xffff, v31;
	v36 =	vadd.f32 v24, v32  }
0xf9: {  	(erf) = vrcp.f32 v15;
	v15 =	vadd.f32 v7, v50  }
0xfa: {  	v58, _, _ =	vpop (xrf2);
	v52 =	vadd.f32 v16, v36  }
0xfb: {  	v59, _, _ =	vpop (xrf2);
	(xrf2) =	vadd.scan.msk.f32 $0xffff, v15;
	v15 =	vadd.f32 $9.999999710e-10, v58  }
0xfc: {  	v33 =	vpop (erf);
	v28 =	vadd.f32 v8, v52  }
0xfd: {  	v35 =	vpop (erf);
	v15 =	vbroadcast v15, $0xF  }
0xfe: {  	v60, _, _ =	vpop (xrf2);
	(xrf2) =	vadd.scan.msk.f32 $0xffff, v28;
	v28 =	vadd.f32 $9.999999710e-10, v59  }
0xff: {  	v51 =	vadd.f32 v35, v33;
	v37 =	vpop (erf);
	(erf) = vrcp.f32 v15  }
0x100: {  	v38 =	vpop (erf);
	v28 =	vbroadcast v28, $0xF  }
0x101: {  	v31 =	vadd.f32 $9.999999710e-10, v60;
	v54 =	vadd.f32 v30, v51;
	v34 =	vpop (erf)  }
0x102: {  	v53 =	vadd.f32 v38, v37;
	v61, _, _ =	vpop (xrf2);
	(erf) = vrcp.f32 v28  }
0x103: {  	v31 =	vbroadcast v31, $0xF;
	v56 =	vadd.f32 v9, v54;
	v36 =	vadd.f32 $9.999999710e-10, v61;
	_ =	sdelay $0x1  }
0x104: {  	v55 =	vadd.f32 v34, v53;
	(xrf2) =	vadd.scan.msk.f32 $0xffff, v56;
	v36 =	vbroadcast v36, $0xF;
	(erf) = vrcp.f32 v31  }
0x105: {  	v22 =	vpop (erf)  }
0x106: {  	v57 =	vadd.f32 v22, v55;
	v39, _, _ =	vpop (xrf2);
	(erf) = vrcp.f32 v36  }
0x107: {  	v45 =	vpop (erf)  }
0x108: {  	(xrf2) =	vadd.scan.msk.f32 $0xffff, v57;
	v39 =	vadd.f32 $9.999999710e-10, v39;
	v20 =	vmul.f32 v45, v20  }
0x109: {  	v17 =	vmul.f32 v45, v17  }
0x10a: {  	v63 =	vbroadcast v39, $0xF;
	v3 =	vmul.f32 v45, v3;
	v46 =	vpop (erf);
	[tilespmem:s23+$0x10] =	vst v20  }
0x10b: {  	[tilespmem:s23+$0x0] =	vst v17;
	v27 =	vmul.f32 v46, v27  }
0x10c: {  	v40, _, _ =	vpop (xrf2);
	(erf) = vrcp.f32 v63;
	[tilespmem:s23+$0x30] =	vst v3;
	v18 =	vmul.f32 v46, v18  }
0x10d: {  	v40 =	vadd.f32 $9.999999710e-10, v40;
	v47 =	vpop (erf);
	v20 =	vmul.f32 v46, v11;
	[tilespmem:s23+$0x50] =	vst v27  }
0x10e: {  	v62, _, _ =	vpop (xrf2);
	v48 =	vmul.f32 v47, v26;
	[tilespmem:s23+$0x40] =	vst v18  }
0x10f: {  	v43 =	vbroadcast v40, $0xF;
	v19 =	vmul.f32 v47, v19;
	v49 =	vpop (erf);
	[tilespmem:s23+$0x60] =	vst v20  }
0x110: {  	v15 =	vadd.f32 $9.999999710e-10, v62;
	v23 =	vmul.f32 v49, v23;
	[tilespmem:s23+$0x410] =	vst v48  }
0x111: {  	(erf) = vrcp.f32 v43;
	v61 =	vmul.f32 v49, v21;
	[tilespmem:s23+$0x400] =	vst v19  }
0x112: {  	v42, _, _ =	vpop (xrf2);
	v15 =	vbroadcast v15, $0xF;
	v18 =	vmul.f32 v49, v13;
	[tilespmem:s23+$0x450] =	vst v23  }
0x113: {  	v31 =	vadd.f32 $9.999999710e-10, v42;
	v19 =	vmul.f32 v47, v12;
	[tilespmem:s23+$0x440] =	vst v61  }
0x114: {  	v21 =	vmul.f32 v45, v10;
	(erf) = vrcp.f32 v15;
	[tilespmem:s23+$0x460] =	vst v18  }
0x115: {  	v44 =	vbroadcast v31, $0xF;
	[tilespmem:s23+$0x420] =	vst v19;
	v31 =	vmul.f32 v46, v4;
	v50 =	vpop (erf)  }
0x116: {  	[tilespmem:s23+$0x20] =	vst v21;
	v51 =	vmul.f32 v50, v29  }
0x117: {  	[tilespmem:s23+$0x70] =	vst v31;
	v25 =	vmul.f32 v50, v25  }
0x118: {  	v17 =	vmul.f32 v50, v14;
	[tilespmem:s23+$0x810] =	vst v51  }
0x119: {  	v27 =	vmul.f32 v50, v7;
	[tilespmem:s23+$0x800] =	vst v25  }
0x11a: {  	(erf) = vrcp.f32 v44;
	v29 =	vmul.f32 v49, v6;
	v52 =	vpop (erf);
	[tilespmem:s23+$0x820] =	vst v17  }
0x11b: {  	[tilespmem:s23+$0x830] =	vst v27;
	v53 =	vmul.f32 v52, v24  }
0x11c: {  	[tilespmem:s23+$0x470] =	vst v29;
	v60 =	vmul.f32 v52, v32  }
0x11d: {  	v16 =	vmul.f32 v52, v16;
	[tilespmem:s23+$0x850] =	vst v53  }
0x11e: {  	v25 =	vmul.f32 v52, v8;
	v54 =	vpop (erf);
	[tilespmem:s23+$0x840] =	vst v60  }
0x11f: {  	[tilespmem:s23+$0x860] =	vst v16;
	v55 =	vmul.f32 v54, v35  }
0x120: {  	[tilespmem:s23+$0x870] =	vst v25;
	v59 =	vmul.f32 v54, v33  }
0x121: {  	v63 =	vmul.f32 v54, v30;
	[tilespmem:s23+$0xC10] =	vst v55  }
0x122: {  	v24 =	vmul.f32 v54, v9;
	[tilespmem:s23+$0xC00] =	vst v59  }
0x123: {  	v30 =	vmul.f32 v47, v5;
	v56 =	vpop (erf);
	[tilespmem:s23+$0xC20] =	vst v63  }
0x124: {  	[tilespmem:s23+$0xC30] =	vst v24;
	v57 =	vmul.f32 v56, v38  }
0x125: {  	[tilespmem:s23+$0x430] =	vst v30;
	v58 =	vmul.f32 v56, v37  }
0x126: {  	v62 =	vmul.f32 v56, v34;
	[tilespmem:s23+$0xC50] =	vst v57  }
0x127: {  	v23 =	vmul.f32 v56, v22;
	[tilespmem:s23+$0xC40] =	vst v58  }
0x128: {  	[tilespmem:s23+$0xC60] =	vst v62  }
0x129: {  	s13 =	rddreg [dreg:$0x6];
	[tilespmem:s23+$0xC70] =	vst v23  }
0x12a: {  	[hbm4b:s13+s3] =	stream.linear.scatter [tilespmem:s3], [sflag:$0x2], $0x8000, $0x38;
	[tilespmem:$0x18200] =	vst v63  }
0x12b: {  	_ =	swait.ge [sflag:s1], $0x8000  }
0x12c: {  	[sflag:s1] =	ssyncset.done $0x0  }
0x12d: {  	[sflag:s1] =	ssyncadd.s32 $0xFFFF8000  }
0x12e: {  	[bflag:$0x0] =	sbarrier.arrive $0xFFFF  }
0x12f: {  	s24 =	simm.s32 $0x8000;
	s14 =	rddreg [dreg:$0x7]  }
0x130: {  	[tilespmem:s24], [sflag:$0x2] =	stream.linear.gather [hbm4b:s14+s3], $0x200, $0x38;
	[tilespmem:$0x18200] =	vst v63  }
0x131: {  	_ =	swait.ge [sflag:s1], $0x200  }
0x132: {  	[sflag:s1] =	ssyncset.done $0x0  }
0x133: {  	[sflag:s1] =	ssyncadd.s32 $0xFFFFFE00  }
0x134: {  	v3 =	vld [tilespmem:$0x8000];
	_ =	sdelay $0x4  }
0x135: {  	v32 =	vshll.u32 v3, $0x2  }
0x136: {  	v3 =	vand.u32 $0x7, v3;
	v4 =	vand.u32 $0xFFFFFFE0, v32  }
0x137: {  	v3 =	vor.u32 v3, v4  }
0x138: {  	v4 =	vperm.xlane v3, v0;
	_ =	sdelay $0x1  }
0x139: {  	v4 =	vadd.s32 v1, v4;
	_ =	sdelay $0x1  }
0x13a: {  	v3 =	vperm.xlane v3, v2;
	_ =	sdelay $0x1  }
0x13b: {  	v3 =	vadd.s32 v1, v3  }
0x13c: {  	[tilespmem:s21], [sflag:$0x1] =	stream.indirect_vreg.gather [hbm4b:s2+s3], $0x80, v4, vm0, $0xb8;
	[tilespmem:$0x18200] =	vst v63  }
0x13d: {  	s0 =	simm.s32 $0x8A00  }
0x13e: {  	[tilespmem:s0], [sflag:$0x1] =	stream.indirect_vreg.gather [hbm4b:s7+s3], $0x80, v4, vm0, $0xb8;
	[tilespmem:$0x18200] =	vst v63  }
0x13f: {  	s15 =	simm.s32 $0x9200  }
0x140: {  	[tilespmem:s15], [sflag:$0x1] =	stream.indirect_vreg.gather [hbm4b:s2+s3], $0x80, v3, vm0, $0xb8;
	[tilespmem:$0x18200] =	vst v63  }
0x141: {  	s16 =	simm.s32 $0x9A00  }
0x142: {  	[tilespmem:s16], [sflag:$0x1] =	stream.indirect_vreg.gather [hbm4b:s7+s3], $0x80, v3, vm0, $0xb8;
	[tilespmem:$0x18200] =	vst v63  }
0x143: {  	v3 =	vld [tilespmem:$0x8010];
	_ =	sdelay $0x4  }
0x144: {  	v33 =	vshll.u32 v3, $0x2  }
0x145: {  	v3 =	vand.u32 $0x7, v3;
	v4 =	vand.u32 $0xFFFFFFE0, v33  }
0x146: {  	v3 =	vor.u32 v3, v4  }
0x147: {  	v4 =	vperm.xlane v3, v0;
	_ =	sdelay $0x1  }
0x148: {  	v4 =	vadd.s32 v1, v4;
	_ =	sdelay $0x1  }
0x149: {  	v3 =	vperm.xlane v3, v2;
	_ =	sdelay $0x1  }
0x14a: {  	s17 =	simm.s32 $0xA200;
	v3 =	vadd.s32 v1, v3  }
0x14b: {  	[tilespmem:s17], [sflag:$0x1] =	stream.indirect_vreg.gather [hbm4b:s2+s3], $0x80, v4, vm0, $0xb8;
	[tilespmem:$0x18200] =	vst v63  }
0x14c: {  	s18 =	simm.s32 $0xAA00  }
0x14d: {  	[tilespmem:s18], [sflag:$0x1] =	stream.indirect_vreg.gather [hbm4b:s7+s3], $0x80, v4, vm0, $0xb8;
	[tilespmem:$0x18200] =	vst v63  }
0x14e: {  	s19 =	simm.s32 $0xB200  }
0x14f: {  	[tilespmem:s19], [sflag:$0x1] =	stream.indirect_vreg.gather [hbm4b:s2+s3], $0x80, v3, vm0, $0xb8;
	[tilespmem:$0x18200] =	vst v63  }
0x150: {  	s20 =	simm.s32 $0xBA00  }
0x151: {  	[tilespmem:s20], [sflag:$0x1] =	stream.indirect_vreg.gather [hbm4b:s7+s3], $0x80, v3, vm0, $0xb8;
	[tilespmem:$0x18200] =	vst v63  }
0x152: {  	v3 =	vld [tilespmem:$0x8020];
	_ =	sdelay $0x4  }
0x153: {  	v34 =	vshll.u32 v3, $0x2  }
0x154: {  	v3 =	vand.u32 $0x7, v3;
	v4 =	vand.u32 $0xFFFFFFE0, v34  }
0x155: {  	v3 =	vor.u32 v3, v4  }
0x156: {  	v4 =	vperm.xlane v3, v0;
	_ =	sdelay $0x1  }
0x157: {  	v4 =	vadd.s32 v1, v4;
	_ =	sdelay $0x1  }
0x158: {  	v3 =	vperm.xlane v3, v2;
	_ =	sdelay $0x1  }
0x159: {  	s22 =	simm.s32 $0xC200;
	v3 =	vadd.s32 v1, v3  }
0x15a: {  	[tilespmem:s22], [sflag:$0x1] =	stream.indirect_vreg.gather [hbm4b:s2+s3], $0x80, v4, vm0, $0xb8;
	[tilespmem:$0x18200] =	vst v63  }
0x15b: {  	s23 =	simm.s32 $0xCA00  }
0x15c: {  	[tilespmem:s23], [sflag:$0x1] =	stream.indirect_vreg.gather [hbm4b:s7+s3], $0x80, v4, vm0, $0xb8;
	[tilespmem:$0x18200] =	vst v63  }
0x15d: {  	s24 =	simm.s32 $0xD200  }
0x15e: {  	[tilespmem:s24], [sflag:$0x1] =	stream.indirect_vreg.gather [hbm4b:s2+s3], $0x80, v3, vm0, $0xb8;
	[tilespmem:$0x18200] =	vst v63  }
0x15f: {  	s28 =	simm.s32 $0xDA00  }
0x160: {  	[tilespmem:s28], [sflag:$0x1] =	stream.indirect_vreg.gather [hbm4b:s7+s3], $0x80, v3, vm0, $0xb8;
	[tilespmem:$0x18200] =	vst v63  }
0x161: {  	v3 =	vld [tilespmem:$0x8030];
	_ =	sdelay $0x4  }
0x162: {  	v35 =	vshll.u32 v3, $0x2  }
0x163: {  	v3 =	vand.u32 $0x7, v3;
	v4 =	vand.u32 $0xFFFFFFE0, v35  }
0x164: {  	v3 =	vor.u32 v3, v4  }
0x165: {  	v4 =	vperm.xlane v3, v0;
	_ =	sdelay $0x1  }
0x166: {  	v4 =	vadd.s32 v1, v4;
	_ =	sdelay $0x1  }
0x167: {  	v3 =	vperm.xlane v3, v2;
	_ =	sdelay $0x1  }
0x168: {  	s31 =	simm.s32 $0xE200;
	v3 =	vadd.s32 v1, v3  }
0x169: {  	[tilespmem:s31], [sflag:$0x1] =	stream.indirect_vreg.gather [hbm4b:s2+s3], $0x80, v4, vm0, $0xb8;
	[tilespmem:$0x18200] =	vst v63  }
0x16a: {  	s5 =	simm.s32 $0xEA00  }
0x16b: {  	[tilespmem:s5], [sflag:$0x1] =	stream.indirect_vreg.gather [hbm4b:s7+s3], $0x80, v4, vm0, $0xb8;
	[tilespmem:$0x18200] =	vst v63  }
0x16c: {  	s6 =	simm.s32 $0xF200  }
0x16d: {  	[tilespmem:s6], [sflag:$0x1] =	stream.indirect_vreg.gather [hbm4b:s2+s3], $0x80, v3, vm0, $0xb8;
	[tilespmem:$0x18200] =	vst v63  }
0x16e: {  	s8 =	simm.s32 $0xFA00  }
0x16f: {  	[tilespmem:s8], [sflag:$0x1] =	stream.indirect_vreg.gather [hbm4b:s7+s3], $0x80, v3, vm0, $0xb8;
	[tilespmem:$0x18200] =	vst v63  }
0x170: {  	v3 =	vld [tilespmem:$0x8040];
	_ =	sdelay $0x4  }
0x171: {  	v36 =	vshll.u32 v3, $0x2  }
0x172: {  	v3 =	vand.u32 $0x7, v3;
	v4 =	vand.u32 $0xFFFFFFE0, v36  }
0x173: {  	v3 =	vor.u32 v3, v4  }
0x174: {  	v4 =	vperm.xlane v3, v0;
	_ =	sdelay $0x1  }
0x175: {  	v4 =	vadd.s32 v1, v4;
	_ =	sdelay $0x1  }
0x176: {  	v3 =	vperm.xlane v3, v2;
	_ =	sdelay $0x1  }
0x177: {  	s14 =	simm.s32 $0x10200;
	v3 =	vadd.s32 v1, v3  }
0x178: {  	[tilespmem:s14], [sflag:$0x1] =	stream.indirect_vreg.gather [hbm4b:s2+s3], $0x80, v4, vm0, $0xb8;
	[tilespmem:$0x18200] =	vst v63  }
0x179: {  	s15 =	simm.s32 $0x10A00  }
0x17a: {  	[tilespmem:s15], [sflag:$0x1] =	stream.indirect_vreg.gather [hbm4b:s7+s3], $0x80, v4, vm0, $0xb8;
	[tilespmem:$0x18200] =	vst v63  }
0x17b: {  	s16 =	simm.s32 $0x11200  }
0x17c: {  	[tilespmem:s16], [sflag:$0x1] =	stream.indirect_vreg.gather [hbm4b:s2+s3], $0x80, v3, vm0, $0xb8;
	[tilespmem:$0x18200] =	vst v63  }
0x17d: {  	s18 =	simm.s32 $0x11A00  }
0x17e: {  	[tilespmem:s18], [sflag:$0x1] =	stream.indirect_vreg.gather [hbm4b:s7+s3], $0x80, v3, vm0, $0xb8;
	[tilespmem:$0x18200] =	vst v63  }
0x17f: {  	v3 =	vld [tilespmem:$0x8050];
	_ =	sdelay $0x4  }
0x180: {  	v37 =	vshll.u32 v3, $0x2  }
0x181: {  	v3 =	vand.u32 $0x7, v3;
	v4 =	vand.u32 $0xFFFFFFE0, v37  }
0x182: {  	v3 =	vor.u32 v3, v4  }
0x183: {  	v4 =	vperm.xlane v3, v0;
	_ =	sdelay $0x1  }
0x184: {  	v4 =	vadd.s32 v1, v4;
	_ =	sdelay $0x1  }
0x185: {  	v3 =	vperm.xlane v3, v2;
	_ =	sdelay $0x1  }
0x186: {  	s19 =	simm.s32 $0x12200;
	v3 =	vadd.s32 v1, v3  }
0x187: {  	[tilespmem:s19], [sflag:$0x1] =	stream.indirect_vreg.gather [hbm4b:s2+s3], $0x80, v4, vm0, $0xb8;
	[tilespmem:$0x18200] =	vst v63  }
0x188: {  	s20 =	simm.s32 $0x12A00  }
0x189: {  	[tilespmem:s20], [sflag:$0x1] =	stream.indirect_vreg.gather [hbm4b:s7+s3], $0x80, v4, vm0, $0xb8;
	[tilespmem:$0x18200] =	vst v63  }
0x18a: {  	s22 =	simm.s32 $0x13200  }
0x18b: {  	[tilespmem:s22], [sflag:$0x1] =	stream.indirect_vreg.gather [hbm4b:s2+s3], $0x80, v3, vm0, $0xb8;
	[tilespmem:$0x18200] =	vst v63  }
0x18c: {  	s23 =	simm.s32 $0x13A00  }
0x18d: {  	[tilespmem:s23], [sflag:$0x1] =	stream.indirect_vreg.gather [hbm4b:s7+s3], $0x80, v3, vm0, $0xb8;
	[tilespmem:$0x18200] =	vst v63  }
0x18e: {  	v3 =	vld [tilespmem:$0x8060];
	_ =	sdelay $0x4  }
0x18f: {  	v38 =	vshll.u32 v3, $0x2  }
0x190: {  	v3 =	vand.u32 $0x7, v3;
	v4 =	vand.u32 $0xFFFFFFE0, v38  }
0x191: {  	v3 =	vor.u32 v3, v4  }
0x192: {  	v4 =	vperm.xlane v3, v0;
	_ =	sdelay $0x1  }
0x193: {  	v4 =	vadd.s32 v1, v4;
	_ =	sdelay $0x1  }
0x194: {  	v3 =	vperm.xlane v3, v2;
	_ =	sdelay $0x1  }
0x195: {  	s24 =	simm.s32 $0x14200;
	v3 =	vadd.s32 v1, v3  }
0x196: {  	[tilespmem:s24], [sflag:$0x1] =	stream.indirect_vreg.gather [hbm4b:s2+s3], $0x80, v4, vm0, $0xb8;
	[tilespmem:$0x18200] =	vst v63  }
0x197: {  	s28 =	simm.s32 $0x14A00  }
0x198: {  	[tilespmem:s28], [sflag:$0x1] =	stream.indirect_vreg.gather [hbm4b:s7+s3], $0x80, v4, vm0, $0xb8;
	[tilespmem:$0x18200] =	vst v63  }
0x199: {  	s31 =	simm.s32 $0x15200  }
0x19a: {  	[tilespmem:s31], [sflag:$0x1] =	stream.indirect_vreg.gather [hbm4b:s2+s3], $0x80, v3, vm0, $0xb8;
	[tilespmem:$0x18200] =	vst v63  }
0x19b: {  	s23 =	simm.s32 $0x15A00  }
0x19c: {  	[tilespmem:s23], [sflag:$0x1] =	stream.indirect_vreg.gather [hbm4b:s7+s3], $0x80, v3, vm0, $0xb8;
	[tilespmem:$0x18200] =	vst v63  }
0x19d: {  	v3 =	vld [tilespmem:$0x8070];
	_ =	sdelay $0x4  }
0x19e: {  	v39 =	vshll.u32 v3, $0x2  }
0x19f: {  	v3 =	vand.u32 $0x7, v3;
	v4 =	vand.u32 $0xFFFFFFE0, v39  }
0x1a0: {  	v3 =	vor.u32 v3, v4  }
0x1a1: {  	v4 =	vperm.xlane v3, v0;
	_ =	sdelay $0x1  }
0x1a2: {  	v4 =	vadd.s32 v1, v4;
	_ =	sdelay $0x1  }
0x1a3: {  	v3 =	vperm.xlane v3, v2;
	_ =	sdelay $0x1  }
0x1a4: {  	s28 =	simm.s32 $0x16200;
	v3 =	vadd.s32 v1, v3  }
0x1a5: {  	[tilespmem:s28], [sflag:$0x1] =	stream.indirect_vreg.gather [hbm4b:s2+s3], $0x80, v4, vm0, $0xb8;
	[tilespmem:$0x18200] =	vst v63  }
0x1a6: {  	s23 =	simm.s32 $0x16A00  }
0x1a7: {  	[tilespmem:s23], [sflag:$0x1] =	stream.indirect_vreg.gather [hbm4b:s7+s3], $0x80, v4, vm0, $0xb8;
	[tilespmem:$0x18200] =	vst v63  }
0x1a8: {  	s28 =	simm.s32 $0x17200  }
0x1a9: {  	[tilespmem:s28], [sflag:$0x1] =	stream.indirect_vreg.gather [hbm4b:s2+s3], $0x80, v3, vm0, $0xb8;
	[tilespmem:$0x18200] =	vst v63  }
0x1aa: {  	s0 =	simm.s32 $0x1;
	s23 =	simm.s32 $0x17A00  }
0x1ab: {  	[tilespmem:s23], [sflag:$0x1] =	stream.indirect_vreg.gather [hbm4b:s7+s3], $0x80, v3, vm0, $0xb8;
	[tilespmem:$0x18200] =	vst v63  }
0x1ac: {  	_ =	swait.ge [sflag:s0], $0x10000  }
0x1ad: {  	[sflag:s0] =	ssyncset.done $0x0  }
0x1ae: {  	s1 =	simm.s32 $0x2;
	s28 =	rddreg [dreg:$0x8];
	[sflag:s0] =	ssyncadd.s32 $0xFFFF0000  }
0x1af: {  	[hbm4b:s28+s3] =	stream.linear.scatter [tilespmem:s21], [sflag:$0x2], $0x10000, $0x38;
	[tilespmem:$0x18200] =	vst v63  }
0x1b0: {  	_ =	swait.ge [sflag:s1], $0x10000  }
0x1b1: {  	[sflag:s1] =	ssyncset.done $0x0  }
0x1b2: {  	[sflag:s1] =	ssyncadd.s32 $0xFFFF0000  }
0x1b3: {  	v3 =	vld [tilespmem:$0x8080];
	_ =	sdelay $0x4  }
0x1b4: {  	v40 =	vshll.u32 v3, $0x2  }
0x1b5: {  	v3 =	vand.u32 $0x7, v3;
	v4 =	vand.u32 $0xFFFFFFE0, v40  }
0x1b6: {  	v3 =	vor.u32 v3, v4  }
0x1b7: {  	v4 =	vperm.xlane v3, v0;
	_ =	sdelay $0x1  }
0x1b8: {  	v4 =	vadd.s32 v1, v4;
	_ =	sdelay $0x1  }
0x1b9: {  	v3 =	vperm.xlane v3, v2;
	_ =	sdelay $0x1  }
0x1ba: {  	v3 =	vadd.s32 v1, v3  }
0x1bb: {  	[tilespmem:s21], [sflag:$0x1] =	stream.indirect_vreg.gather [hbm4b:s2+s3], $0x80, v4, vm0, $0xb8;
	[tilespmem:$0x18200] =	vst v63  }
0x1bc: {  	s26 =	simm.s32 $0x8A00  }
0x1bd: {  	[tilespmem:s26], [sflag:$0x1] =	stream.indirect_vreg.gather [hbm4b:s7+s3], $0x80, v4, vm0, $0xb8;
	[tilespmem:$0x18200] =	vst v63  }
0x1be: {  	s29 =	simm.s32 $0x9200  }
0x1bf: {  	[tilespmem:s29], [sflag:$0x1] =	stream.indirect_vreg.gather [hbm4b:s2+s3], $0x80, v3, vm0, $0xb8;
	[tilespmem:$0x18200] =	vst v63  }
0x1c0: {  	s9 =	simm.s32 $0x9A00  }
0x1c1: {  	[tilespmem:s9], [sflag:$0x1] =	stream.indirect_vreg.gather [hbm4b:s7+s3], $0x80, v3, vm0, $0xb8;
	[tilespmem:$0x18200] =	vst v63  }
0x1c2: {  	v3 =	vld [tilespmem:$0x8090];
	_ =	sdelay $0x4  }
0x1c3: {  	v41 =	vshll.u32 v3, $0x2  }
0x1c4: {  	v3 =	vand.u32 $0x7, v3;
	v4 =	vand.u32 $0xFFFFFFE0, v41  }
0x1c5: {  	v3 =	vor.u32 v3, v4  }
0x1c6: {  	v4 =	vperm.xlane v3, v0;
	_ =	sdelay $0x1  }
0x1c7: {  	v4 =	vadd.s32 v1, v4;
	_ =	sdelay $0x1  }
0x1c8: {  	v3 =	vperm.xlane v3, v2;
	_ =	sdelay $0x1  }
0x1c9: {  	s30 =	simm.s32 $0xA200;
	v3 =	vadd.s32 v1, v3  }
0x1ca: {  	[tilespmem:s30], [sflag:$0x1] =	stream.indirect_vreg.gather [hbm4b:s2+s3], $0x80, v4, vm0, $0xb8;
	[tilespmem:$0x18200] =	vst v63  }
0x1cb: {  	s25 =	simm.s32 $0xAA00  }
0x1cc: {  	[tilespmem:s25], [sflag:$0x1] =	stream.indirect_vreg.gather [hbm4b:s7+s3], $0x80, v4, vm0, $0xb8;
	[tilespmem:$0x18200] =	vst v63  }
0x1cd: {  	s25 =	simm.s32 $0xB200  }
0x1ce: {  	[tilespmem:s25], [sflag:$0x1] =	stream.indirect_vreg.gather [hbm4b:s2+s3], $0x80, v3, vm0, $0xb8;
	[tilespmem:$0x18200] =	vst v63  }
0x1cf: {  	s10 =	simm.s32 $0xBA00  }
0x1d0: {  	[tilespmem:s10], [sflag:$0x1] =	stream.indirect_vreg.gather [hbm4b:s7+s3], $0x80, v3, vm0, $0xb8;
	[tilespmem:$0x18200] =	vst v63  }
0x1d1: {  	v3 =	vld [tilespmem:$0x80A0];
	_ =	sdelay $0x4  }
0x1d2: {  	v42 =	vshll.u32 v3, $0x2  }
0x1d3: {  	v3 =	vand.u32 $0x7, v3;
	v4 =	vand.u32 $0xFFFFFFE0, v42  }
0x1d4: {  	v3 =	vor.u32 v3, v4  }
0x1d5: {  	v4 =	vperm.xlane v3, v0;
	_ =	sdelay $0x1  }
0x1d6: {  	v4 =	vadd.s32 v1, v4;
	_ =	sdelay $0x1  }
0x1d7: {  	v3 =	vperm.xlane v3, v2;
	_ =	sdelay $0x1  }
0x1d8: {  	s10 =	simm.s32 $0xC200;
	v3 =	vadd.s32 v1, v3  }
0x1d9: {  	[tilespmem:s10], [sflag:$0x1] =	stream.indirect_vreg.gather [hbm4b:s2+s3], $0x80, v4, vm0, $0xb8;
	[tilespmem:$0x18200] =	vst v63  }
0x1da: {  	s23 =	simm.s32 $0xCA00  }
0x1db: {  	[tilespmem:s23], [sflag:$0x1] =	stream.indirect_vreg.gather [hbm4b:s7+s3], $0x80, v4, vm0, $0xb8;
	[tilespmem:$0x18200] =	vst v63  }
0x1dc: {  	s17 =	simm.s32 $0xD200  }
0x1dd: {  	[tilespmem:s17], [sflag:$0x1] =	stream.indirect_vreg.gather [hbm4b:s2+s3], $0x80, v3, vm0, $0xb8;
	[tilespmem:$0x18200] =	vst v63  }
0x1de: {  	s4 =	simm.s32 $0xDA00  }
0x1df: {  	[tilespmem:s4], [sflag:$0x1] =	stream.indirect_vreg.gather [hbm4b:s7+s3], $0x80, v3, vm0, $0xb8;
	[tilespmem:$0x18200] =	vst v63  }
0x1e0: {  	v3 =	vld [tilespmem:$0x80B0];
	_ =	sdelay $0x4  }
0x1e1: {  	v43 =	vshll.u32 v3, $0x2  }
0x1e2: {  	v3 =	vand.u32 $0x7, v3;
	v4 =	vand.u32 $0xFFFFFFE0, v43  }
0x1e3: {  	v3 =	vor.u32 v3, v4  }
0x1e4: {  	v4 =	vperm.xlane v3, v0;
	_ =	sdelay $0x1  }
0x1e5: {  	v4 =	vadd.s32 v1, v4;
	_ =	sdelay $0x1  }
0x1e6: {  	v3 =	vperm.xlane v3, v2;
	_ =	sdelay $0x1  }
0x1e7: {  	s11 =	simm.s32 $0xE200;
	v3 =	vadd.s32 v1, v3  }
0x1e8: {  	[tilespmem:s11], [sflag:$0x1] =	stream.indirect_vreg.gather [hbm4b:s2+s3], $0x80, v4, vm0, $0xb8;
	[tilespmem:$0x18200] =	vst v63  }
0x1e9: {  	s12 =	simm.s32 $0xEA00  }
0x1ea: {  	[tilespmem:s12], [sflag:$0x1] =	stream.indirect_vreg.gather [hbm4b:s7+s3], $0x80, v4, vm0, $0xb8;
	[tilespmem:$0x18200] =	vst v63  }
0x1eb: {  	s13 =	simm.s32 $0xF200  }
0x1ec: {  	[tilespmem:s13], [sflag:$0x1] =	stream.indirect_vreg.gather [hbm4b:s2+s3], $0x80, v3, vm0, $0xb8;
	[tilespmem:$0x18200] =	vst v63  }
0x1ed: {  	s5 =	simm.s32 $0xFA00  }
0x1ee: {  	[tilespmem:s5], [sflag:$0x1] =	stream.indirect_vreg.gather [hbm4b:s7+s3], $0x80, v3, vm0, $0xb8;
	[tilespmem:$0x18200] =	vst v63  }
0x1ef: {  	v3 =	vld [tilespmem:$0x80C0];
	_ =	sdelay $0x4  }
0x1f0: {  	v44 =	vshll.u32 v3, $0x2  }
0x1f1: {  	v3 =	vand.u32 $0x7, v3;
	v4 =	vand.u32 $0xFFFFFFE0, v44  }
0x1f2: {  	v3 =	vor.u32 v3, v4  }
0x1f3: {  	v4 =	vperm.xlane v3, v0;
	_ =	sdelay $0x1  }
0x1f4: {  	v4 =	vadd.s32 v1, v4;
	_ =	sdelay $0x1  }
0x1f5: {  	v3 =	vperm.xlane v3, v2;
	_ =	sdelay $0x1  }
0x1f6: {  	s14 =	simm.s32 $0x10200;
	v3 =	vadd.s32 v1, v3  }
0x1f7: {  	[tilespmem:s14], [sflag:$0x1] =	stream.indirect_vreg.gather [hbm4b:s2+s3], $0x80, v4, vm0, $0xb8;
	[tilespmem:$0x18200] =	vst v63  }
0x1f8: {  	s15 =	simm.s32 $0x10A00  }
0x1f9: {  	[tilespmem:s15], [sflag:$0x1] =	stream.indirect_vreg.gather [hbm4b:s7+s3], $0x80, v4, vm0, $0xb8;
	[tilespmem:$0x18200] =	vst v63  }
0x1fa: {  	s16 =	simm.s32 $0x11200  }
0x1fb: {  	[tilespmem:s16], [sflag:$0x1] =	stream.indirect_vreg.gather [hbm4b:s2+s3], $0x80, v3, vm0, $0xb8;
	[tilespmem:$0x18200] =	vst v63  }
0x1fc: {  	s6 =	simm.s32 $0x11A00  }
0x1fd: {  	[tilespmem:s6], [sflag:$0x1] =	stream.indirect_vreg.gather [hbm4b:s7+s3], $0x80, v3, vm0, $0xb8;
	[tilespmem:$0x18200] =	vst v63  }
0x1fe: {  	v3 =	vld [tilespmem:$0x80D0];
	_ =	sdelay $0x4  }
0x1ff: {  	v45 =	vshll.u32 v3, $0x2  }
0x200: {  	v3 =	vand.u32 $0x7, v3;
	v4 =	vand.u32 $0xFFFFFFE0, v45  }
0x201: {  	v3 =	vor.u32 v3, v4  }
0x202: {  	v4 =	vperm.xlane v3, v0;
	_ =	sdelay $0x1  }
0x203: {  	v4 =	vadd.s32 v1, v4;
	_ =	sdelay $0x1  }
0x204: {  	v3 =	vperm.xlane v3, v2;
	_ =	sdelay $0x1  }
0x205: {  	s19 =	simm.s32 $0x12200;
	v3 =	vadd.s32 v1, v3  }
0x206: {  	[tilespmem:s19], [sflag:$0x1] =	stream.indirect_vreg.gather [hbm4b:s2+s3], $0x80, v4, vm0, $0xb8;
	[tilespmem:$0x18200] =	vst v63  }
0x207: {  	s20 =	simm.s32 $0x12A00  }
0x208: {  	[tilespmem:s20], [sflag:$0x1] =	stream.indirect_vreg.gather [hbm4b:s7+s3], $0x80, v4, vm0, $0xb8;
	[tilespmem:$0x18200] =	vst v63  }
0x209: {  	s22 =	simm.s32 $0x13200  }
0x20a: {  	[tilespmem:s22], [sflag:$0x1] =	stream.indirect_vreg.gather [hbm4b:s2+s3], $0x80, v3, vm0, $0xb8;
	[tilespmem:$0x18200] =	vst v63  }
0x20b: {  	s8 =	simm.s32 $0x13A00  }
0x20c: {  	[tilespmem:s8], [sflag:$0x1] =	stream.indirect_vreg.gather [hbm4b:s7+s3], $0x80, v3, vm0, $0xb8;
	[tilespmem:$0x18200] =	vst v63  }
0x20d: {  	v3 =	vld [tilespmem:$0x80E0];
	_ =	sdelay $0x4  }
0x20e: {  	v46 =	vshll.u32 v3, $0x2  }
0x20f: {  	v3 =	vand.u32 $0x7, v3;
	v4 =	vand.u32 $0xFFFFFFE0, v46  }
0x210: {  	v3 =	vor.u32 v3, v4  }
0x211: {  	v4 =	vperm.xlane v3, v0;
	_ =	sdelay $0x1  }
0x212: {  	v4 =	vadd.s32 v1, v4;
	_ =	sdelay $0x1  }
0x213: {  	v3 =	vperm.xlane v3, v2;
	_ =	sdelay $0x1  }
0x214: {  	s18 =	simm.s32 $0x14200;
	v3 =	vadd.s32 v1, v3  }
0x215: {  	[tilespmem:s18], [sflag:$0x1] =	stream.indirect_vreg.gather [hbm4b:s2+s3], $0x80, v4, vm0, $0xb8;
	[tilespmem:$0x18200] =	vst v63  }
0x216: {  	s24 =	simm.s32 $0x14A00  }
0x217: {  	[tilespmem:s24], [sflag:$0x1] =	stream.indirect_vreg.gather [hbm4b:s7+s3], $0x80, v4, vm0, $0xb8;
	[tilespmem:$0x18200] =	vst v63  }
0x218: {  	s25 =	simm.s32 $0x15200  }
0x219: {  	[tilespmem:s25], [sflag:$0x1] =	stream.indirect_vreg.gather [hbm4b:s2+s3], $0x80, v3, vm0, $0xb8;
	[tilespmem:$0x18200] =	vst v63  }
0x21a: {  	s31 =	simm.s32 $0x15A00  }
0x21b: {  	[tilespmem:s31], [sflag:$0x1] =	stream.indirect_vreg.gather [hbm4b:s7+s3], $0x80, v3, vm0, $0xb8;
	[tilespmem:$0x18200] =	vst v63  }
0x21c: {  	v3 =	vld [tilespmem:$0x80F0];
	_ =	sdelay $0x4  }
0x21d: {  	v47 =	vshll.u32 v3, $0x2  }
0x21e: {  	v3 =	vand.u32 $0x7, v3;
	v4 =	vand.u32 $0xFFFFFFE0, v47  }
0x21f: {  	v3 =	vor.u32 v3, v4  }
0x220: {  	v4 =	vperm.xlane v3, v0;
	_ =	sdelay $0x1  }
0x221: {  	v4 =	vadd.s32 v1, v4;
	_ =	sdelay $0x1  }
0x222: {  	v3 =	vperm.xlane v3, v2;
	_ =	sdelay $0x1  }
0x223: {  	s6 =	simm.s32 $0x16200;
	v3 =	vadd.s32 v1, v3  }
0x224: {  	[tilespmem:s6], [sflag:$0x1] =	stream.indirect_vreg.gather [hbm4b:s2+s3], $0x80, v4, vm0, $0xb8;
	[tilespmem:$0x18200] =	vst v63  }
0x225: {  	s8 =	simm.s32 $0x16A00  }
0x226: {  	[tilespmem:s8], [sflag:$0x1] =	stream.indirect_vreg.gather [hbm4b:s7+s3], $0x80, v4, vm0, $0xb8;
	[tilespmem:$0x18200] =	vst v63  }
0x227: {  	s11 =	simm.s32 $0x17200  }
0x228: {  	[tilespmem:s11], [sflag:$0x1] =	stream.indirect_vreg.gather [hbm4b:s2+s3], $0x80, v3, vm0, $0xb8;
	[tilespmem:$0x18200] =	vst v63  }
0x229: {  	s23 =	simm.s32 $0x17A00  }
0x22a: {  	[tilespmem:s23], [sflag:$0x1] =	stream.indirect_vreg.gather [hbm4b:s7+s3], $0x80, v3, vm0, $0xb8;
	[tilespmem:$0x18200] =	vst v63  }
0x22b: {  	_ =	swait.ge [sflag:s0], $0x10000  }
0x22c: {  	[sflag:s0] =	ssyncset.done $0x0  }
0x22d: {  	s31 =	rddreg [dreg:$0x9];
	[sflag:s0] =	ssyncadd.s32 $0xFFFF0000  }
0x22e: {  	[hbm4b:s31+s3] =	stream.linear.scatter [tilespmem:s21], [sflag:$0x2], $0x10000, $0x38;
	[tilespmem:$0x18200] =	vst v63  }
0x22f: {  	_ =	swait.ge [sflag:s1], $0x10000  }
0x230: {  	[sflag:s1] =	ssyncset.done $0x0  }
0x231: {  	[sflag:s1] =	ssyncadd.s32 $0xFFFF0000  }
0x232: {  	v3 =	vld [tilespmem:$0x8100];
	_ =	sdelay $0x4  }
0x233: {  	v48 =	vshll.u32 v3, $0x2  }
0x234: {  	v3 =	vand.u32 $0x7, v3;
	v4 =	vand.u32 $0xFFFFFFE0, v48  }
0x235: {  	v3 =	vor.u32 v3, v4  }
0x236: {  	v4 =	vperm.xlane v3, v0;
	_ =	sdelay $0x1  }
0x237: {  	v4 =	vadd.s32 v1, v4;
	_ =	sdelay $0x1  }
0x238: {  	v3 =	vperm.xlane v3, v2;
	_ =	sdelay $0x1  }
0x239: {  	v3 =	vadd.s32 v1, v3  }
0x23a: {  	[tilespmem:s21], [sflag:$0x1] =	stream.indirect_vreg.gather [hbm4b:s2+s3], $0x80, v4, vm0, $0xb8;
	[tilespmem:$0x18200] =	vst v63  }
0x23b: {  	s28 =	simm.s32 $0x8A00  }
0x23c: {  	[tilespmem:s28], [sflag:$0x1] =	stream.indirect_vreg.gather [hbm4b:s7+s3], $0x80, v4, vm0, $0xb8;
	[tilespmem:$0x18200] =	vst v63  }
0x23d: {  	s29 =	simm.s32 $0x9200  }
0x23e: {  	[tilespmem:s29], [sflag:$0x1] =	stream.indirect_vreg.gather [hbm4b:s2+s3], $0x80, v3, vm0, $0xb8;
	[tilespmem:$0x18200] =	vst v63  }
0x23f: {  	s31 =	simm.s32 $0x9A00  }
0x240: {  	[tilespmem:s31], [sflag:$0x1] =	stream.indirect_vreg.gather [hbm4b:s7+s3], $0x80, v3, vm0, $0xb8;
	[tilespmem:$0x18200] =	vst v63  }
0x241: {  	v3 =	vld [tilespmem:$0x8110];
	_ =	sdelay $0x4  }
0x242: {  	v49 =	vshll.u32 v3, $0x2  }
0x243: {  	v3 =	vand.u32 $0x7, v3;
	v4 =	vand.u32 $0xFFFFFFE0, v49  }
0x244: {  	v3 =	vor.u32 v3, v4  }
0x245: {  	v4 =	vperm.xlane v3, v0;
	_ =	sdelay $0x1  }
0x246: {  	v4 =	vadd.s32 v1, v4;
	_ =	sdelay $0x1  }
0x247: {  	v3 =	vperm.xlane v3, v2;
	_ =	sdelay $0x1  }
0x248: {  	s30 =	simm.s32 $0xA200;
	v3 =	vadd.s32 v1, v3  }
0x249: {  	[tilespmem:s30], [sflag:$0x1] =	stream.indirect_vreg.gather [hbm4b:s2+s3], $0x80, v4, vm0, $0xb8;
	[tilespmem:$0x18200] =	vst v63  }
0x24a: {  	s26 =	simm.s32 $0xAA00  }
0x24b: {  	[tilespmem:s26], [sflag:$0x1] =	stream.indirect_vreg.gather [hbm4b:s7+s3], $0x80, v4, vm0, $0xb8;
	[tilespmem:$0x18200] =	vst v63  }
0x24c: {  	s31 =	simm.s32 $0xB200  }
0x24d: {  	[tilespmem:s31], [sflag:$0x1] =	stream.indirect_vreg.gather [hbm4b:s2+s3], $0x80, v3, vm0, $0xb8;
	[tilespmem:$0x18200] =	vst v63  }
0x24e: {  	s31 =	simm.s32 $0xBA00  }
0x24f: {  	[tilespmem:s31], [sflag:$0x1] =	stream.indirect_vreg.gather [hbm4b:s7+s3], $0x80, v3, vm0, $0xb8;
	[tilespmem:$0x18200] =	vst v63  }
0x250: {  	v3 =	vld [tilespmem:$0x8120];
	_ =	sdelay $0x4  }
0x251: {  	v50 =	vshll.u32 v3, $0x2  }
0x252: {  	v3 =	vand.u32 $0x7, v3;
	v4 =	vand.u32 $0xFFFFFFE0, v50  }
0x253: {  	v3 =	vor.u32 v3, v4  }
0x254: {  	v4 =	vperm.xlane v3, v0;
	_ =	sdelay $0x1  }
0x255: {  	v4 =	vadd.s32 v1, v4;
	_ =	sdelay $0x1  }
0x256: {  	v3 =	vperm.xlane v3, v2;
	_ =	sdelay $0x1  }
0x257: {  	s9 =	simm.s32 $0xC200;
	v3 =	vadd.s32 v1, v3  }
0x258: {  	[tilespmem:s9], [sflag:$0x1] =	stream.indirect_vreg.gather [hbm4b:s2+s3], $0x80, v4, vm0, $0xb8;
	[tilespmem:$0x18200] =	vst v63  }
0x259: {  	s10 =	simm.s32 $0xCA00  }
0x25a: {  	[tilespmem:s10], [sflag:$0x1] =	stream.indirect_vreg.gather [hbm4b:s7+s3], $0x80, v4, vm0, $0xb8;
	[tilespmem:$0x18200] =	vst v63  }
0x25b: {  	s17 =	simm.s32 $0xD200  }
0x25c: {  	[tilespmem:s17], [sflag:$0x1] =	stream.indirect_vreg.gather [hbm4b:s2+s3], $0x80, v3, vm0, $0xb8;
	[tilespmem:$0x18200] =	vst v63  }
0x25d: {  	s23 =	simm.s32 $0xDA00  }
0x25e: {  	[tilespmem:s23], [sflag:$0x1] =	stream.indirect_vreg.gather [hbm4b:s7+s3], $0x80, v3, vm0, $0xb8;
	[tilespmem:$0x18200] =	vst v63  }
0x25f: {  	v3 =	vld [tilespmem:$0x8130];
	_ =	sdelay $0x4  }
0x260: {  	v51 =	vshll.u32 v3, $0x2  }
0x261: {  	v3 =	vand.u32 $0x7, v3;
	v4 =	vand.u32 $0xFFFFFFE0, v51  }
0x262: {  	v3 =	vor.u32 v3, v4  }
0x263: {  	v4 =	vperm.xlane v3, v0;
	_ =	sdelay $0x1  }
0x264: {  	v4 =	vadd.s32 v1, v4;
	_ =	sdelay $0x1  }
0x265: {  	v3 =	vperm.xlane v3, v2;
	_ =	sdelay $0x1  }
0x266: {  	s4 =	simm.s32 $0xE200;
	v3 =	vadd.s32 v1, v3  }
0x267: {  	[tilespmem:s4], [sflag:$0x1] =	stream.indirect_vreg.gather [hbm4b:s2+s3], $0x80, v4, vm0, $0xb8;
	[tilespmem:$0x18200] =	vst v63  }
0x268: {  	s12 =	simm.s32 $0xEA00  }
0x269: {  	[tilespmem:s12], [sflag:$0x1] =	stream.indirect_vreg.gather [hbm4b:s7+s3], $0x80, v4, vm0, $0xb8;
	[tilespmem:$0x18200] =	vst v63  }
0x26a: {  	s13 =	simm.s32 $0xF200  }
0x26b: {  	[tilespmem:s13], [sflag:$0x1] =	stream.indirect_vreg.gather [hbm4b:s2+s3], $0x80, v3, vm0, $0xb8;
	[tilespmem:$0x18200] =	vst v63  }
0x26c: {  	s23 =	simm.s32 $0xFA00  }
0x26d: {  	[tilespmem:s23], [sflag:$0x1] =	stream.indirect_vreg.gather [hbm4b:s7+s3], $0x80, v3, vm0, $0xb8;
	[tilespmem:$0x18200] =	vst v63  }
0x26e: {  	v3 =	vld [tilespmem:$0x8140];
	_ =	sdelay $0x4  }
0x26f: {  	v52 =	vshll.u32 v3, $0x2  }
0x270: {  	v3 =	vand.u32 $0x7, v3;
	v4 =	vand.u32 $0xFFFFFFE0, v52  }
0x271: {  	v3 =	vor.u32 v3, v4  }
0x272: {  	v4 =	vperm.xlane v3, v0;
	_ =	sdelay $0x1  }
0x273: {  	v4 =	vadd.s32 v1, v4;
	_ =	sdelay $0x1  }
0x274: {  	v3 =	vperm.xlane v3, v2;
	_ =	sdelay $0x1  }
0x275: {  	s14 =	simm.s32 $0x10200;
	v3 =	vadd.s32 v1, v3  }
0x276: {  	[tilespmem:s14], [sflag:$0x1] =	stream.indirect_vreg.gather [hbm4b:s2+s3], $0x80, v4, vm0, $0xb8;
	[tilespmem:$0x18200] =	vst v63  }
0x277: {  	s15 =	simm.s32 $0x10A00  }
0x278: {  	[tilespmem:s15], [sflag:$0x1] =	stream.indirect_vreg.gather [hbm4b:s7+s3], $0x80, v4, vm0, $0xb8;
	[tilespmem:$0x18200] =	vst v63  }
0x279: {  	s16 =	simm.s32 $0x11200  }
0x27a: {  	[tilespmem:s16], [sflag:$0x1] =	stream.indirect_vreg.gather [hbm4b:s2+s3], $0x80, v3, vm0, $0xb8;
	[tilespmem:$0x18200] =	vst v63  }
0x27b: {  	s23 =	simm.s32 $0x11A00  }
0x27c: {  	[tilespmem:s23], [sflag:$0x1] =	stream.indirect_vreg.gather [hbm4b:s7+s3], $0x80, v3, vm0, $0xb8;
	[tilespmem:$0x18200] =	vst v63  }
0x27d: {  	v3 =	vld [tilespmem:$0x8150];
	_ =	sdelay $0x4  }
0x27e: {  	v53 =	vshll.u32 v3, $0x2  }
0x27f: {  	v3 =	vand.u32 $0x7, v3;
	v4 =	vand.u32 $0xFFFFFFE0, v53  }
0x280: {  	v3 =	vor.u32 v3, v4  }
0x281: {  	v4 =	vperm.xlane v3, v0;
	_ =	sdelay $0x1  }
0x282: {  	v4 =	vadd.s32 v1, v4;
	_ =	sdelay $0x1  }
0x283: {  	v3 =	vperm.xlane v3, v2;
	_ =	sdelay $0x1  }
0x284: {  	s19 =	simm.s32 $0x12200;
	v3 =	vadd.s32 v1, v3  }
0x285: {  	[tilespmem:s19], [sflag:$0x1] =	stream.indirect_vreg.gather [hbm4b:s2+s3], $0x80, v4, vm0, $0xb8;
	[tilespmem:$0x18200] =	vst v63  }
0x286: {  	s20 =	simm.s32 $0x12A00  }
0x287: {  	[tilespmem:s20], [sflag:$0x1] =	stream.indirect_vreg.gather [hbm4b:s7+s3], $0x80, v4, vm0, $0xb8;
	[tilespmem:$0x18200] =	vst v63  }
0x288: {  	s22 =	simm.s32 $0x13200  }
0x289: {  	[tilespmem:s22], [sflag:$0x1] =	stream.indirect_vreg.gather [hbm4b:s2+s3], $0x80, v3, vm0, $0xb8;
	[tilespmem:$0x18200] =	vst v63  }
0x28a: {  	s23 =	simm.s32 $0x13A00  }
0x28b: {  	[tilespmem:s23], [sflag:$0x1] =	stream.indirect_vreg.gather [hbm4b:s7+s3], $0x80, v3, vm0, $0xb8;
	[tilespmem:$0x18200] =	vst v63  }
0x28c: {  	v3 =	vld [tilespmem:$0x8160];
	_ =	sdelay $0x4  }
0x28d: {  	v54 =	vshll.u32 v3, $0x2  }
0x28e: {  	v3 =	vand.u32 $0x7, v3;
	v4 =	vand.u32 $0xFFFFFFE0, v54  }
0x28f: {  	v3 =	vor.u32 v3, v4  }
0x290: {  	v4 =	vperm.xlane v3, v0;
	_ =	sdelay $0x1  }
0x291: {  	v4 =	vadd.s32 v1, v4;
	_ =	sdelay $0x1  }
0x292: {  	v3 =	vperm.xlane v3, v2;
	_ =	sdelay $0x1  }
0x293: {  	s18 =	simm.s32 $0x14200;
	v3 =	vadd.s32 v1, v3  }
0x294: {  	[tilespmem:s18], [sflag:$0x1] =	stream.indirect_vreg.gather [hbm4b:s2+s3], $0x80, v4, vm0, $0xb8;
	[tilespmem:$0x18200] =	vst v63  }
0x295: {  	s24 =	simm.s32 $0x14A00  }
0x296: {  	[tilespmem:s24], [sflag:$0x1] =	stream.indirect_vreg.gather [hbm4b:s7+s3], $0x80, v4, vm0, $0xb8;
	[tilespmem:$0x18200] =	vst v63  }
0x297: {  	s25 =	simm.s32 $0x15200  }
0x298: {  	[tilespmem:s25], [sflag:$0x1] =	stream.indirect_vreg.gather [hbm4b:s2+s3], $0x80, v3, vm0, $0xb8;
	[tilespmem:$0x18200] =	vst v63  }
0x299: {  	s23 =	simm.s32 $0x15A00  }
0x29a: {  	[tilespmem:s23], [sflag:$0x1] =	stream.indirect_vreg.gather [hbm4b:s7+s3], $0x80, v3, vm0, $0xb8;
	[tilespmem:$0x18200] =	vst v63  }
0x29b: {  	v3 =	vld [tilespmem:$0x8170];
	_ =	sdelay $0x4  }
0x29c: {  	v55 =	vshll.u32 v3, $0x2  }
0x29d: {  	v3 =	vand.u32 $0x7, v3;
	v4 =	vand.u32 $0xFFFFFFE0, v55  }
0x29e: {  	v3 =	vor.u32 v3, v4  }
0x29f: {  	v4 =	vperm.xlane v3, v0;
	_ =	sdelay $0x1  }
0x2a0: {  	v4 =	vadd.s32 v1, v4;
	_ =	sdelay $0x1  }
0x2a1: {  	v3 =	vperm.xlane v3, v2;
	_ =	sdelay $0x1  }
0x2a2: {  	s5 =	simm.s32 $0x16200;
	v3 =	vadd.s32 v1, v3  }
0x2a3: {  	[tilespmem:s5], [sflag:$0x1] =	stream.indirect_vreg.gather [hbm4b:s2+s3], $0x80, v4, vm0, $0xb8;
	[tilespmem:$0x18200] =	vst v63  }
0x2a4: {  	s6 =	simm.s32 $0x16A00  }
0x2a5: {  	[tilespmem:s6], [sflag:$0x1] =	stream.indirect_vreg.gather [hbm4b:s7+s3], $0x80, v4, vm0, $0xb8;
	[tilespmem:$0x18200] =	vst v63  }
0x2a6: {  	s8 =	simm.s32 $0x17200  }
0x2a7: {  	[tilespmem:s8], [sflag:$0x1] =	stream.indirect_vreg.gather [hbm4b:s2+s3], $0x80, v3, vm0, $0xb8;
	[tilespmem:$0x18200] =	vst v63  }
0x2a8: {  	s11 =	simm.s32 $0x17A00  }
0x2a9: {  	[tilespmem:s11], [sflag:$0x1] =	stream.indirect_vreg.gather [hbm4b:s7+s3], $0x80, v3, vm0, $0xb8;
	[tilespmem:$0x18200] =	vst v63  }
0x2aa: {  	_ =	swait.ge [sflag:s0], $0x10000  }
0x2ab: {  	[sflag:s0] =	ssyncset.done $0x0  }
0x2ac: {  	s11 =	rddreg [dreg:$0xa];
	[sflag:s0] =	ssyncadd.s32 $0xFFFF0000  }
0x2ad: {  	[hbm4b:s11+s3] =	stream.linear.scatter [tilespmem:s21], [sflag:$0x2], $0x10000, $0x38;
	[tilespmem:$0x18200] =	vst v63  }
0x2ae: {  	_ =	swait.ge [sflag:s1], $0x10000  }
0x2af: {  	[sflag:s1] =	ssyncset.done $0x0  }
0x2b0: {  	[sflag:s1] =	ssyncadd.s32 $0xFFFF0000  }
0x2b1: {  	v3 =	vld [tilespmem:$0x8180];
	_ =	sdelay $0x4  }
0x2b2: {  	v56 =	vshll.u32 v3, $0x2  }
0x2b3: {  	v3 =	vand.u32 $0x7, v3;
	v4 =	vand.u32 $0xFFFFFFE0, v56  }
0x2b4: {  	v3 =	vor.u32 v3, v4  }
0x2b5: {  	v4 =	vperm.xlane v3, v0;
	_ =	sdelay $0x1  }
0x2b6: {  	v4 =	vadd.s32 v1, v4;
	_ =	sdelay $0x1  }
0x2b7: {  	v3 =	vperm.xlane v3, v2;
	_ =	sdelay $0x1  }
0x2b8: {  	v3 =	vadd.s32 v1, v3  }
0x2b9: {  	[tilespmem:s21], [sflag:$0x1] =	stream.indirect_vreg.gather [hbm4b:s2+s3], $0x80, v4, vm0, $0xb8;
	[tilespmem:$0x18200] =	vst v63  }
0x2ba: {  	s28 =	simm.s32 $0x8A00  }
0x2bb: {  	[tilespmem:s28], [sflag:$0x1] =	stream.indirect_vreg.gather [hbm4b:s7+s3], $0x80, v4, vm0, $0xb8;
	[tilespmem:$0x18200] =	vst v63  }
0x2bc: {  	s29 =	simm.s32 $0x9200  }
0x2bd: {  	[tilespmem:s29], [sflag:$0x1] =	stream.indirect_vreg.gather [hbm4b:s2+s3], $0x80, v3, vm0, $0xb8;
	[tilespmem:$0x18200] =	vst v63  }
0x2be: {  	s28 =	simm.s32 $0x9A00  }
0x2bf: {  	[tilespmem:s28], [sflag:$0x1] =	stream.indirect_vreg.gather [hbm4b:s7+s3], $0x80, v3, vm0, $0xb8;
	[tilespmem:$0x18200] =	vst v63  }
0x2c0: {  	v3 =	vld [tilespmem:$0x8190];
	_ =	sdelay $0x4  }
0x2c1: {  	v57 =	vshll.u32 v3, $0x2  }
0x2c2: {  	v3 =	vand.u32 $0x7, v3;
	v4 =	vand.u32 $0xFFFFFFE0, v57  }
0x2c3: {  	v3 =	vor.u32 v3, v4  }
0x2c4: {  	v4 =	vperm.xlane v3, v0;
	_ =	sdelay $0x1  }
0x2c5: {  	v4 =	vadd.s32 v1, v4;
	_ =	sdelay $0x1  }
0x2c6: {  	v3 =	vperm.xlane v3, v2;
	_ =	sdelay $0x1  }
0x2c7: {  	s30 =	simm.s32 $0xA200;
	v3 =	vadd.s32 v1, v3  }
0x2c8: {  	[tilespmem:s30], [sflag:$0x1] =	stream.indirect_vreg.gather [hbm4b:s2+s3], $0x80, v4, vm0, $0xb8;
	[tilespmem:$0x18200] =	vst v63  }
0x2c9: {  	s26 =	simm.s32 $0xAA00  }
0x2ca: {  	[tilespmem:s26], [sflag:$0x1] =	stream.indirect_vreg.gather [hbm4b:s7+s3], $0x80, v4, vm0, $0xb8;
	[tilespmem:$0x18200] =	vst v63  }
0x2cb: {  	s29 =	simm.s32 $0xB200  }
0x2cc: {  	[tilespmem:s29], [sflag:$0x1] =	stream.indirect_vreg.gather [hbm4b:s2+s3], $0x80, v3, vm0, $0xb8;
	[tilespmem:$0x18200] =	vst v63  }
0x2cd: {  	s30 =	simm.s32 $0xBA00  }
0x2ce: {  	[tilespmem:s30], [sflag:$0x1] =	stream.indirect_vreg.gather [hbm4b:s7+s3], $0x80, v3, vm0, $0xb8;
	[tilespmem:$0x18200] =	vst v63  }
0x2cf: {  	v3 =	vld [tilespmem:$0x81A0];
	_ =	sdelay $0x4  }
0x2d0: {  	v58 =	vshll.u32 v3, $0x2  }
0x2d1: {  	v3 =	vand.u32 $0x7, v3;
	v4 =	vand.u32 $0xFFFFFFE0, v58  }
0x2d2: {  	v3 =	vor.u32 v3, v4  }
0x2d3: {  	v4 =	vperm.xlane v3, v0;
	_ =	sdelay $0x1  }
0x2d4: {  	v4 =	vadd.s32 v1, v4;
	_ =	sdelay $0x1  }
0x2d5: {  	v3 =	vperm.xlane v3, v2;
	_ =	sdelay $0x1  }
0x2d6: {  	s31 =	simm.s32 $0xC200;
	v3 =	vadd.s32 v1, v3  }
0x2d7: {  	[tilespmem:s31], [sflag:$0x1] =	stream.indirect_vreg.gather [hbm4b:s2+s3], $0x80, v4, vm0, $0xb8;
	[tilespmem:$0x18200] =	vst v63  }
0x2d8: {  	s9 =	simm.s32 $0xCA00  }
0x2d9: {  	[tilespmem:s9], [sflag:$0x1] =	stream.indirect_vreg.gather [hbm4b:s7+s3], $0x80, v4, vm0, $0xb8;
	[tilespmem:$0x18200] =	vst v63  }
0x2da: {  	s17 =	simm.s32 $0xD200  }
0x2db: {  	[tilespmem:s17], [sflag:$0x1] =	stream.indirect_vreg.gather [hbm4b:s2+s3], $0x80, v3, vm0, $0xb8;
	[tilespmem:$0x18200] =	vst v63  }
0x2dc: {  	s11 =	simm.s32 $0xDA00  }
0x2dd: {  	[tilespmem:s11], [sflag:$0x1] =	stream.indirect_vreg.gather [hbm4b:s7+s3], $0x80, v3, vm0, $0xb8;
	[tilespmem:$0x18200] =	vst v63  }
0x2de: {  	v3 =	vld [tilespmem:$0x81B0];
	_ =	sdelay $0x4  }
0x2df: {  	v59 =	vshll.u32 v3, $0x2  }
0x2e0: {  	v3 =	vand.u32 $0x7, v3;
	v4 =	vand.u32 $0xFFFFFFE0, v59  }
0x2e1: {  	v3 =	vor.u32 v3, v4  }
0x2e2: {  	v4 =	vperm.xlane v3, v0;
	_ =	sdelay $0x1  }
0x2e3: {  	v4 =	vadd.s32 v1, v4;
	_ =	sdelay $0x1  }
0x2e4: {  	v3 =	vperm.xlane v3, v2;
	_ =	sdelay $0x1  }
0x2e5: {  	s10 =	simm.s32 $0xE200;
	v3 =	vadd.s32 v1, v3  }
0x2e6: {  	[tilespmem:s10], [sflag:$0x1] =	stream.indirect_vreg.gather [hbm4b:s2+s3], $0x80, v4, vm0, $0xb8;
	[tilespmem:$0x18200] =	vst v63  }
0x2e7: {  	s12 =	simm.s32 $0xEA00  }
0x2e8: {  	[tilespmem:s12], [sflag:$0x1] =	stream.indirect_vreg.gather [hbm4b:s7+s3], $0x80, v4, vm0, $0xb8;
	[tilespmem:$0x18200] =	vst v63  }
0x2e9: {  	s13 =	simm.s32 $0xF200  }
0x2ea: {  	[tilespmem:s13], [sflag:$0x1] =	stream.indirect_vreg.gather [hbm4b:s2+s3], $0x80, v3, vm0, $0xb8;
	[tilespmem:$0x18200] =	vst v63  }
0x2eb: {  	s17 =	simm.s32 $0xFA00  }
0x2ec: {  	[tilespmem:s17], [sflag:$0x1] =	stream.indirect_vreg.gather [hbm4b:s7+s3], $0x80, v3, vm0, $0xb8;
	[tilespmem:$0x18200] =	vst v63  }
0x2ed: {  	v3 =	vld [tilespmem:$0x81C0];
	_ =	sdelay $0x4  }
0x2ee: {  	v60 =	vshll.u32 v3, $0x2  }
0x2ef: {  	v3 =	vand.u32 $0x7, v3;
	v4 =	vand.u32 $0xFFFFFFE0, v60  }
0x2f0: {  	v3 =	vor.u32 v3, v4  }
0x2f1: {  	v4 =	vperm.xlane v3, v0;
	_ =	sdelay $0x1  }
0x2f2: {  	v4 =	vadd.s32 v1, v4;
	_ =	sdelay $0x1  }
0x2f3: {  	v3 =	vperm.xlane v3, v2;
	_ =	sdelay $0x1  }
0x2f4: {  	s14 =	simm.s32 $0x10200;
	v3 =	vadd.s32 v1, v3  }
0x2f5: {  	[tilespmem:s14], [sflag:$0x1] =	stream.indirect_vreg.gather [hbm4b:s2+s3], $0x80, v4, vm0, $0xb8;
	[tilespmem:$0x18200] =	vst v63  }
0x2f6: {  	s15 =	simm.s32 $0x10A00  }
0x2f7: {  	[tilespmem:s15], [sflag:$0x1] =	stream.indirect_vreg.gather [hbm4b:s7+s3], $0x80, v4, vm0, $0xb8;
	[tilespmem:$0x18200] =	vst v63  }
0x2f8: {  	s16 =	simm.s32 $0x11200  }
0x2f9: {  	[tilespmem:s16], [sflag:$0x1] =	stream.indirect_vreg.gather [hbm4b:s2+s3], $0x80, v3, vm0, $0xb8;
	[tilespmem:$0x18200] =	vst v63  }
0x2fa: {  	s23 =	simm.s32 $0x11A00  }
0x2fb: {  	[tilespmem:s23], [sflag:$0x1] =	stream.indirect_vreg.gather [hbm4b:s7+s3], $0x80, v3, vm0, $0xb8;
	[tilespmem:$0x18200] =	vst v63  }
0x2fc: {  	v3 =	vld [tilespmem:$0x81D0];
	_ =	sdelay $0x4  }
0x2fd: {  	v61 =	vshll.u32 v3, $0x2  }
0x2fe: {  	v3 =	vand.u32 $0x7, v3;
	v4 =	vand.u32 $0xFFFFFFE0, v61  }
0x2ff: {  	v3 =	vor.u32 v3, v4  }
0x300: {  	v4 =	vperm.xlane v3, v0;
	_ =	sdelay $0x1  }
0x301: {  	v4 =	vadd.s32 v1, v4;
	_ =	sdelay $0x1  }
0x302: {  	v3 =	vperm.xlane v3, v2;
	_ =	sdelay $0x1  }
0x303: {  	s19 =	simm.s32 $0x12200;
	v3 =	vadd.s32 v1, v3  }
0x304: {  	[tilespmem:s19], [sflag:$0x1] =	stream.indirect_vreg.gather [hbm4b:s2+s3], $0x80, v4, vm0, $0xb8;
	[tilespmem:$0x18200] =	vst v63  }
0x305: {  	s20 =	simm.s32 $0x12A00  }
0x306: {  	[tilespmem:s20], [sflag:$0x1] =	stream.indirect_vreg.gather [hbm4b:s7+s3], $0x80, v4, vm0, $0xb8;
	[tilespmem:$0x18200] =	vst v63  }
0x307: {  	s22 =	simm.s32 $0x13200  }
0x308: {  	[tilespmem:s22], [sflag:$0x1] =	stream.indirect_vreg.gather [hbm4b:s2+s3], $0x80, v3, vm0, $0xb8;
	[tilespmem:$0x18200] =	vst v63  }
0x309: {  	s26 =	simm.s32 $0x13A00  }
0x30a: {  	[tilespmem:s26], [sflag:$0x1] =	stream.indirect_vreg.gather [hbm4b:s7+s3], $0x80, v3, vm0, $0xb8;
	[tilespmem:$0x18200] =	vst v63  }
0x30b: {  	v3 =	vld [tilespmem:$0x81E0];
	_ =	sdelay $0x4  }
0x30c: {  	v62 =	vshll.u32 v3, $0x2  }
0x30d: {  	v3 =	vand.u32 $0x7, v3;
	v4 =	vand.u32 $0xFFFFFFE0, v62  }
0x30e: {  	v3 =	vor.u32 v3, v4  }
0x30f: {  	v4 =	vperm.xlane v3, v0;
	_ =	sdelay $0x1  }
0x310: {  	v4 =	vadd.s32 v1, v4;
	_ =	sdelay $0x1  }
0x311: {  	v3 =	vperm.xlane v3, v2;
	_ =	sdelay $0x1  }
0x312: {  	s18 =	simm.s32 $0x14200;
	v3 =	vadd.s32 v1, v3  }
0x313: {  	[tilespmem:s18], [sflag:$0x1] =	stream.indirect_vreg.gather [hbm4b:s2+s3], $0x80, v4, vm0, $0xb8;
	[tilespmem:$0x18200] =	vst v63  }
0x314: {  	s24 =	simm.s32 $0x14A00  }
0x315: {  	[tilespmem:s24], [sflag:$0x1] =	stream.indirect_vreg.gather [hbm4b:s7+s3], $0x80, v4, vm0, $0xb8;
	[tilespmem:$0x18200] =	vst v63  }
0x316: {  	s25 =	simm.s32 $0x15200  }
0x317: {  	[tilespmem:s25], [sflag:$0x1] =	stream.indirect_vreg.gather [hbm4b:s2+s3], $0x80, v3, vm0, $0xb8;
	[tilespmem:$0x18200] =	vst v63  }
0x318: {  	s28 =	simm.s32 $0x15A00  }
0x319: {  	[tilespmem:s28], [sflag:$0x1] =	stream.indirect_vreg.gather [hbm4b:s7+s3], $0x80, v3, vm0, $0xb8;
	[tilespmem:$0x18200] =	vst v63  }
0x31a: {  	v3 =	vld [tilespmem:$0x81F0];
	_ =	sdelay $0x4  }
0x31b: {  	v63 =	vshll.u32 v3, $0x2  }
0x31c: {  	v3 =	vand.u32 $0x7, v3;
	v4 =	vand.u32 $0xFFFFFFE0, v63  }
0x31d: {  	v3 =	vor.u32 v3, v4  }
0x31e: {  	v4 =	vperm.xlane v3, v0;
	_ =	sdelay $0x1  }
0x31f: {  	v4 =	vadd.s32 v1, v4;
	_ =	sdelay $0x1  }
0x320: {  	v3 =	vperm.xlane v3, v2;
	_ =	sdelay $0x1  }
0x321: {  	s4 =	simm.s32 $0x16200;
	v3 =	vadd.s32 v1, v3  }
0x322: {  	[tilespmem:s4], [sflag:$0x1] =	stream.indirect_vreg.gather [hbm4b:s2+s3], $0x80, v4, vm0, $0xb8;
	[tilespmem:$0x18200] =	vst v63  }
0x323: {  	s5 =	simm.s32 $0x16A00  }
0x324: {  	[tilespmem:s5], [sflag:$0x1] =	stream.indirect_vreg.gather [hbm4b:s7+s3], $0x80, v4, vm0, $0xb8;
	[tilespmem:$0x18200] =	vst v63  }
0x325: {  	s6 =	simm.s32 $0x17200  }
0x326: {  	[tilespmem:s6], [sflag:$0x1] =	stream.indirect_vreg.gather [hbm4b:s2+s3], $0x80, v3, vm0, $0xb8;
	[tilespmem:$0x18200] =	vst v63  }
0x327: {  	s8 =	simm.s32 $0x17A00  }
0x328: {  	[tilespmem:s8], [sflag:$0x1] =	stream.indirect_vreg.gather [hbm4b:s7+s3], $0x80, v3, vm0, $0xb8;
	[tilespmem:$0x18200] =	vst v63  }
0x329: {  	_ =	swait.ge [sflag:s0], $0x10000  }
0x32a: {  	[sflag:s0] =	ssyncset.done $0x0  }
0x32b: {  	s1 =	simm.s32 $0x2;
	s29 =	rddreg [dreg:$0xb];
	[sflag:s0] =	ssyncadd.s32 $0xFFFF0000  }
0x32c: {  	[hbm4b:s29+s3] =	stream.linear.scatter [tilespmem:s21], [sflag:$0x2], $0x10000, $0x38;
	[tilespmem:$0x18200] =	vst v63  }
0x32d: {  	_ =	swait.ge [sflag:s1], $0x10000  }
0x32e: {  	s30 =	rddreg [dreg:$0xd]  }
0x32f: {  	s31 =	rddreg [dreg:$0xc];
	s0 =	sadd.s32 $0x1, s30  }
0x330: {  	p0 =	sne.s32 s0, s31  }
.Ltmp1:
0x331: {  	_ = 	snop;
	(pc) =	sbr.rel @p0 .LBB2_1-.Ltmp1, $3  }
0x332: {  	_ =	sdelay $0x1  }
0x333: {  	[sflag:s1] =	ssyncset.done $0x0  }
0x334: {  	[sflag:s1] =	ssyncadd.s32 $0xFFFF0000  }
0x335: {  	_ =	sfence.sel $0x180000  }
0x336: {  	[bflag:$0x0] =	sbarrier.arrive $0xFFFF  }
0x337: {  	_ =	strace $0x90000047  }
0x338: {  	s0 =	stileid.u32;
	[bflag:$0x2] =	sbarrier.arrive $0xFFFF  }
0x339: {  	p0 =	sne.s32 s0, $0x0;
	s0 =	rddreg [dreg:$0x4]  }
0x33a: {  	s0 =	sadd.s32 @!p0 $0x100000, s0  }
0x33b: {  	[sflag:s0] =	ssyncadd.tile.s32 @!p0 $0x1;
	_ =	shalt  }
.Lfunc_end2:
_tile_overlayer_lowered:
.L_overlay_start_2:
0x33c: {  	(tag) =	ssettag $0x2  }
0x33d: {  	s0 =	rddreg [dreg:$0x0];
	s2 =	stileid.u32  }
0x33e: {  	s1 =	rddreg [dreg:$0x1];
	p0 =	sne.s32 s2, $0x0  }
0x33f: {  	s3 =	rddreg [dreg:$0x2];
	[bflag:$0x3] =	sbarrier.arrive $0xFFFF;
	s2 =	simm.s32 @!p0 $0x1C02  }
0x340: {  	[timem:s3], [sflag:s2] =	dma.local @!p0 [hbm:s0], s1  }
0x341: {  	s0 =	simm.s32 @!p0 $0x2  }
0x342: {  	_ =	swait.ge @!p0 [sflag:s0], s1  }
0x343: {  	s1 =	ssub.s32 @!p0 $0x0, s1;
	[sflag:s0] =	ssyncset.done @!p0 $0x0  }
0x344: {  	[sflag:s0] =	ssyncadd.s32 @!p0 s1  }
0x345: {  	[bflag:$0x3] =	sbarrier.arrive $0xFFFF  }
0x346: {  	_ =	shalt  }

</sc_bundles>
